<compile_context>
chip_gen: v7x
topology: tpu7x:2x2x1
jax: 0.10.2.dev20260603
libtpu: 0.0.44.dev20260713+nightly
codegen_flags: <defaults>
</compile_context>

<pallas_src>
import functools

import jax
import jax.numpy as jnp
from jax import lax
from jax.experimental import pallas as pl
from jax.experimental.pallas import tpu as pltpu
from jax.experimental.pallas import tpu_sc as plsc

K = 16
CH = 8
NWORKERS = 32
RPB = 32


def _dist_cand_kernel(hseg_ref, d2_ref, chunk_ref):
    seg = hseg_ref[0]
    s = seg.shape[0]
    nch = s // CH
    gram = jnp.dot(seg, seg.T, preferred_element_type=jnp.float32)
    sq = jnp.sum(seg * seg, axis=1)
    d2 = sq[:, None] + sq[None, :] - 2.0 * gram
    d2_ref[0] = d2
    cm = jnp.max(d2.reshape(nch, CH, s), axis=1)
    bits = lax.bitcast_convert_type(jnp.maximum(cm, 0.0), jnp.int32)
    ci = lax.broadcasted_iota(jnp.int32, (nch, s), 0)
    low = nch - 1
    key = lax.bitcast_convert_type(
        (bits & jnp.int32(~low)) | (low - ci), jnp.float32)
    km = _bitonic_top16(key)
    km = lax.bitcast_convert_type(km, jnp.int32)
    chunk_ref[0] = (low - (km & low)).T


def _cex_pass(x, j, wmf_g):
    r, s = x.shape
    g = r // (2 * j)
    xr = x.reshape(g, 2, j, s)
    a, b = xr[:, 0], xr[:, 1]
    mx = jnp.maximum(a, b)
    mn = jnp.minimum(a, b)
    na = jnp.where(wmf_g, mx, mn)
    nb = jnp.where(wmf_g, mn, mx)
    return jnp.stack((na, nb), axis=1).reshape(r, s)


def _bitonic_top16(x):
    r, s = x.shape
    for k in [2, 4, 8, 16]:
        j = k // 2
        while j >= 1:
            g = r // (2 * j)
            i0 = lax.broadcasted_iota(jnp.int32, (g, 1, 1), 0) * (2 * j)
            asc_region = ((i0 % 16) & k) == 0
            block_desc = ((i0 >> 4) % 2) == 0
            x = _cex_pass(x, j, asc_region == block_desc)
            j //= 2
    while True:
        r = x.shape[0]
        xr = x.reshape(r // 32, 2, 16, s)
        x = jnp.maximum(xr[:, 0], xr[:, 1]).reshape(r // 2, s)
        if x.shape[0] == 16:
            return x
        for j in [8, 4, 2, 1]:
            g = x.shape[0] // (2 * j)
            i0 = lax.broadcasted_iota(jnp.int32, (g, 1, 1), 0) * (2 * j)
            x = _cex_pass(x, j, ((i0 >> 4) % 2) == 0)


def _sc_topk(d2rows, chunks, vals_out, idx_out, row_v, ch_v, outv_v, outi_v,
             sem):
    wid = lax.axis_index("s") * 2 + lax.axis_index("c")
    n, s = d2rows.shape
    rows_per_w = n // NWORKERS
    nbatch = rows_per_w // RPB
    base0 = wid * rows_per_w
    pltpu.async_copy(d2rows.at[pl.ds(base0, RPB)], row_v.at[0], sem.at[0])

    def batch_body(bt, _):
        buf = bt % 2
        gbase = base0 + bt * RPB

        @pl.when(bt + 1 < nbatch)
        def _():
            pltpu.async_copy(
                d2rows.at[pl.ds(gbase + RPB, RPB)],
                row_v.at[(bt + 1) % 2], sem.at[(bt + 1) % 2])

        pltpu.make_async_copy(
            d2rows.at[pl.ds(gbase, RPB)], row_v.at[buf], sem.at[buf]).wait()
        pltpu.sync_copy(chunks.at[pl.ds(gbase, RPB)], ch_v)

        def row_body(r, _):
            civ = ch_v[r]
            col0 = civ * CH
            segbase = ((gbase + r) // s) * s
            bfull = jnp.full((K,), buf, jnp.int32)
            rfull = jnp.full((K,), r, jnp.int32)
            pairs = []
            for j in range(CH):
                w = plsc.load_gather(row_v, [bfull, rfull, col0 + j])
                dv = col0 + (segbase + j)
                pairs.append(
                    plsc.sort_key_val(w, dv, descending=(j % 2 == 0)))
            while len(pairs) > 1:
                nxt = []
                for i in range(0, len(pairs), 2):
                    p = i // 2
                    desc = True if len(pairs) == 2 else (p % 2 == 0)
                    av, ai = pairs[i]
                    bv, bi = pairs[i + 1]
                    take = av >= bv
                    mv = jnp.where(take, av, bv)
                    mi = jnp.where(take, ai, bi)
                    nxt.append(plsc.sort_key_val(mv, mi, descending=desc))
                pairs = nxt
            fv, fi = pairs[0]
            outv_v[r] = fv
            outi_v[r] = fi
            return 0

        lax.fori_loop(0, RPB, row_body, 0, unroll=2)
        pltpu.sync_copy(outv_v, vals_out.at[pl.ds(gbase, RPB)])
        pltpu.sync_copy(outi_v, idx_out.at[pl.ds(gbase, RPB)])
        return 0

    lax.fori_loop(0, nbatch, batch_body, 0)


def kernel(h, segs):
    b = segs.shape[0]
    n, d = h.shape
    s = n // b
    hr = h.reshape(b, s, d)
    ngroups = 1
    bg = b // ngroups

    mesh = plsc.VectorSubcoreMesh(core_axis_name="c", subcore_axis_name="s")
    sc = functools.partial(
        pl.kernel,
        mesh=mesh,
        compiler_params=pltpu.CompilerParams(needs_layout_passes=False),
        out_type=[
            jax.ShapeDtypeStruct((bg * s, K), jnp.float32),
            jax.ShapeDtypeStruct((bg * s, K), jnp.int32),
        ],
        scratch_types=[
            pltpu.VMEM((2, RPB, s), jnp.float32),
            pltpu.VMEM((RPB, K), jnp.int32),
            pltpu.VMEM((RPB, K), jnp.float32),
            pltpu.VMEM((RPB, K), jnp.int32),
            pltpu.SemaphoreType.DMA((2,)),
        ],
    )(_sc_topk)

    vparts, iparts = [], []
    for g in range(ngroups):
        d2g, chg = pl.pallas_call(
            _dist_cand_kernel,
            grid=(bg,),
            in_specs=[pl.BlockSpec((1, s, d), lambda i: (i, 0, 0))],
            out_specs=[
                pl.BlockSpec((1, s, s), lambda i: (i, 0, 0)),
                pl.BlockSpec((1, s, K), lambda i: (i, 0, 0)),
            ],
            out_shape=[
                jax.ShapeDtypeStruct((bg, s, s), jnp.float32),
                jax.ShapeDtypeStruct((bg, s, K), jnp.int32),
            ],
        )(hr[g * bg:(g + 1) * bg])
        vg, ig = sc(d2g.reshape(bg * s, s), chg.reshape(bg * s, K))
        vparts.append(vg)
        iparts.append(ig + g * bg * s)

    vals = jnp.concatenate(vparts, axis=0).reshape(b, s, K)
    dst = jnp.concatenate(iparts, axis=0).reshape(-1)
    src = jnp.broadcast_to(
        jnp.arange(n, dtype=jnp.int32).reshape(b, s, 1), (b, s, K)
    ).reshape(-1)
    return src, dst, vals, h

# --- scband reference (transcript-rebuilt; emitter-appended) ---
"""Pipeline reference for scband-nearest-neighbor-graph-40209483825557 (READ-ONLY COPY).

The authoritative reference and input builder live on the scoring server;
editing this copy changes nothing except your own understanding.
"""

import jax, jax.numpy as jnp
import numpy as np

K = 16
B = 16
S = 1024
D = 256

def setup_inputs(seed: int = 0) -> dict:
    key = jax.random.key(seed)
    h = jax.random.normal(key, (B * S, D), dtype=jnp.float32)
    # segs must sum to n_total_points; equal-sized segments of S points each
    segs = jnp.full((B,), S, dtype=jnp.int32)
    return {"h": h, "segs": segs}


def reference(h, segs):
    # Faithful translation: per-segment pairwise squared L2 distances, top-k
    # (largest, matching torch .topk default as written), then build the
    # global (src, dst) edge lists with per-segment index offsets.
    # Equal segment sizes let us vectorize over segments instead of the
    # python loop. The pairwise distance (a-b)^2 summed over dims is computed
    # via ||a||^2 + ||b||^2 - 2 a.b (same math, avoids the O(S^2 * D)
    # intermediate tensor).
    B_ = segs.shape[0]
    S_ = h.shape[0] // B_
    hr = h.reshape(B_, S_, -1)
    sq = jnp.sum(hr * hr, axis=-1)                      # (B, S)
    gram = jnp.einsum('bid,bjd->bij', hr, hr)           # (B, S, S)
    d2 = sq[:, :, None] + sq[:, None, :] - 2.0 * gram   # (B, S, S)
    vals, idx = jax.lax.top_k(d2, K)                    # (B, S, K)
    starts = (jnp.arange(B_, dtype=idx.dtype) * S_)[:, None, None]
    dst = (idx + starts).reshape(-1)                    # global dst node ids
    src = jnp.broadcast_to(
        jnp.arange(B_ * S_, dtype=idx.dtype).reshape(B_, S_, 1), idx.shape
    ).reshape(-1)                                       # global src node ids
    # graph edges + node features ('x' <- h) + topk distance values
    return src, dst, vals, h

if __name__ == "__main__":
    import jax
    _d = setup_inputs()
    print(jax.jit(kernel)(*tuple(_d.values())))

</pallas_src>

<mosaic_0001>
#map = affine_map<(d0, d1) -> (0, 0)>
module attributes {stable_mosaic.version = 14 : i64} {
  func.func @_sc_topk(%arg0: i32, %arg1: i32, %arg2: memref<16384x1024xf32, #tpu.memory_space<hbm>>, %arg3: memref<16384x16xi32, #tpu.memory_space<hbm>>, %arg4: memref<16384x16xf32, #tpu.memory_space<hbm>>, %arg5: memref<16384x16xi32, #tpu.memory_space<hbm>>, %arg6: memref<2x32x1024xf32, #tpu.memory_space<vmem>>, %arg7: memref<32x16xi32, #tpu.memory_space<vmem>>, %arg8: memref<32x16xf32, #tpu.memory_space<vmem>>, %arg9: memref<32x16xi32, #tpu.memory_space<vmem>>, %arg10: memref<2x!tpu.dma_semaphore, #tpu.memory_space<semaphore_mem>>) attributes {dimension_semantics = [#tpu.dimension_semantics<core_parallel>, #tpu.dimension_semantics<subcore_parallel>], iteration_bounds = array<i64: 2, 16>, scalar_prefetch = 0 : i64, scratch_operands = 5 : i64, tpu.core_type = #tpu.core_type<sc_vector_subcore>, window_params = [{transform_indices = #map}, {transform_indices = #map}, {transform_indices = #map}, {transform_indices = #map}]} {
    %mul3A = arith.constant 2 : i32
    %mul3A_0 = arith.muli %arg1, %mul3A : i32
    %add3A = arith.addi %mul3A_0, %arg0 : i32
    %mul3A_1 = arith.constant 512 : i32
    %mul3A_2 = arith.muli %add3A, %mul3A_1 : i32
    %dma_start3A = arith.constant 0 : i32
    %dma_start3A_3 = arith.constant 0 : i32
    %dma_start3A_4 = arith.constant 0 : i32
    %dma_start3A_5 = arith.constant 0 : i32
    %dma_start3A_6 = tpu.memref_slice %arg6[%dma_start3A, %dma_start3A_4, %dma_start3A_5] : memref<2x32x1024xf32, #tpu.memory_space<vmem>> -> memref<1x32x1024xf32, #tpu.memory_space<vmem>>
    %dma_start3A_7 = tpu.memref_squeeze %dma_start3A_6 : memref<1x32x1024xf32, #tpu.memory_space<vmem>> -> memref<32x1024xf32, #tpu.memory_space<vmem>>
    %dma_start3A_8 = arith.constant 0 : i32
    %dma_start3A_9 = tpu.memref_slice %arg2[%mul3A_2, %dma_start3A_8] : memref<16384x1024xf32, #tpu.memory_space<hbm>> -> memref<32x1024xf32, #tpu.memory_space<hbm>>
    %dma_start3A_10 = tpu.memref_slice %arg10[%dma_start3A_3] : memref<2x!tpu.dma_semaphore, #tpu.memory_space<semaphore_mem>> -> memref<1x!tpu.dma_semaphore, #tpu.memory_space<semaphore_mem>>
    %dma_start3A_11 = tpu.memref_squeeze %dma_start3A_10 : memref<1x!tpu.dma_semaphore, #tpu.memory_space<semaphore_mem>> -> memref<!tpu.dma_semaphore, #tpu.memory_space<semaphore_mem>>
    %dma_start3A_12 = arith.constant 0 : i32
    %dma_start3A_13 = arith.constant 0 : i32
    %dma_start3A_14 = tpu.memref_slice %arg6[%dma_start3A, %dma_start3A_12, %dma_start3A_13] : memref<2x32x1024xf32, #tpu.memory_space<vmem>> -> memref<1x32x1024xf32, #tpu.memory_space<vmem>>
    %dma_start3A_15 = tpu.memref_squeeze %dma_start3A_14 : memref<1x32x1024xf32, #tpu.memory_space<vmem>> -> memref<32x1024xf32, #tpu.memory_space<vmem>>
    %dma_start3A_16 = arith.constant 0 : i32
    %dma_start3A_17 = tpu.memref_slice %arg2[%mul3A_2, %dma_start3A_16] : memref<16384x1024xf32, #tpu.memory_space<hbm>> -> memref<32x1024xf32, #tpu.memory_space<hbm>>
    tpu.enqueue_dma source(%dma_start3A_17 : memref<32x1024xf32, #tpu.memory_space<hbm>>) target(%dma_start3A_15 : memref<32x1024xf32, #tpu.memory_space<vmem>>) target_semaphore(%dma_start3A_11 : memref<!tpu.dma_semaphore, #tpu.memory_space<semaphore_mem>>)
    %scan3A = arith.constant 0 : i32
    %scan3A_18 = arith.constant 0 : i32
    %scan3A_19 = arith.constant 16 : i32
    %scan3A_20 = arith.addi %scan3A_18, %scan3A_19 : i32
    %scan3A_21 = arith.constant 1 : i32
    %scan3A_22 = scf.for %scan3A_24 = %scan3A_18 to %scan3A_20 step %scan3A_21 iter_args(%scan3A_25 = %scan3A) -> (i32)  : i32 {
      %jit3A = arith.constant 2 : i32
      %eq3A = arith.constant 0 : i32
      %eq3A_26 = arith.cmpi eq, %jit3A, %eq3A : i32
      %jit3A_27 = arith.constant 1 : i32
      %select_n3A = arith.select %eq3A_26, %jit3A_27, %jit3A : i32
      %rem3A = arith.remsi %scan3A_24, %select_n3A : i32
      %ne3A = arith.constant 0 : i32
      %ne3A_28 = arith.cmpi ne, %rem3A, %ne3A : i32
      %lt3A = arith.constant 0 : i32
      %lt3A_29 = arith.cmpi slt, %rem3A, %lt3A : i32
      %lt3A_30 = arith.constant 0 : i32
      %lt3A_31 = arith.cmpi slt, %select_n3A, %lt3A_30 : i32
      %ne3A_32 = arith.xori %lt3A_29, %lt3A_31 : i1
      %and3A = arith.andi %ne3A_32, %ne3A_28 : i1
      %add3A_33 = arith.addi %rem3A, %select_n3A : i32
      %select_n3A_34 = arith.select %and3A, %add3A_33, %rem3A : i32
      %mul3A_35 = arith.constant 32 : i32
      %mul3A_36 = arith.muli %scan3A_24, %mul3A_35 : i32
      %add3A_37 = arith.addi %mul3A_2, %mul3A_36 : i32
      %add3A_38 = arith.constant 1 : i32
      %add3A_39 = arith.addi %scan3A_24, %add3A_38 : i32
      %lt3A_40 = arith.constant 16 : i32
      %lt3A_41 = arith.cmpi slt, %add3A_39, %lt3A_40 : i32
      %convert_element_type3A = arith.extui %lt3A_41 : i1 to i32
      %cond3A = arith.constant 0 : i32
      %cond3A_42 = arith.cmpi ne, %convert_element_type3A, %cond3A : i32
      scf.if %cond3A_42 {
        %add3A_64 = arith.constant 32 : i32
        %add3A_65 = arith.addi %add3A_37, %add3A_64 : i32
        %add3A_66 = arith.constant 1 : i32
        %add3A_67 = arith.addi %scan3A_24, %add3A_66 : i32
        %jit3A_68 = arith.constant 2 : i32
        %eq3A_69 = arith.constant 0 : i32
        %eq3A_70 = arith.cmpi eq, %jit3A_68, %eq3A_69 : i32
        %jit3A_71 = arith.constant 1 : i32
        %select_n3A_72 = arith.select %eq3A_70, %jit3A_71, %jit3A_68 : i32
        %rem3A_73 = arith.remsi %add3A_67, %select_n3A_72 : i32
        %ne3A_74 = arith.constant 0 : i32
        %ne3A_75 = arith.cmpi ne, %rem3A_73, %ne3A_74 : i32
        %lt3A_76 = arith.constant 0 : i32
        %lt3A_77 = arith.cmpi slt, %rem3A_73, %lt3A_76 : i32
        %lt3A_78 = arith.constant 0 : i32
        %lt3A_79 = arith.cmpi slt, %select_n3A_72, %lt3A_78 : i32
        %ne3A_80 = arith.xori %lt3A_77, %lt3A_79 : i1
        %and3A_81 = arith.andi %ne3A_80, %ne3A_75 : i1
        %add3A_82 = arith.addi %rem3A_73, %select_n3A_72 : i32
        %select_n3A_83 = arith.select %and3A_81, %add3A_82, %rem3A_73 : i32
        %add3A_84 = arith.constant 1 : i32
        %add3A_85 = arith.addi %scan3A_24, %add3A_84 : i32
        %jit3A_86 = arith.constant 2 : i32
        %eq3A_87 = arith.constant 0 : i32
        %eq3A_88 = arith.cmpi eq, %jit3A_86, %eq3A_87 : i32
        %jit3A_89 = arith.constant 1 : i32
        %select_n3A_90 = arith.select %eq3A_88, %jit3A_89, %jit3A_86 : i32
        %rem3A_91 = arith.remsi %add3A_85, %select_n3A_90 : i32
        %ne3A_92 = arith.constant 0 : i32
        %ne3A_93 = arith.cmpi ne, %rem3A_91, %ne3A_92 : i32
        %lt3A_94 = arith.constant 0 : i32
        %lt3A_95 = arith.cmpi slt, %rem3A_91, %lt3A_94 : i32
        %lt3A_96 = arith.constant 0 : i32
        %lt3A_97 = arith.cmpi slt, %select_n3A_90, %lt3A_96 : i32
        %ne3A_98 = arith.xori %lt3A_95, %lt3A_97 : i1
        %and3A_99 = arith.andi %ne3A_98, %ne3A_93 : i1
        %add3A_100 = arith.addi %rem3A_91, %select_n3A_90 : i32
        %select_n3A_101 = arith.select %and3A_99, %add3A_100, %rem3A_91 : i32
        %dma_start3A_102 = arith.constant 0 : i32
        %dma_start3A_103 = arith.constant 0 : i32
        %dma_start3A_104 = tpu.memref_slice %arg6[%select_n3A_83, %dma_start3A_102, %dma_start3A_103] : memref<2x32x1024xf32, #tpu.memory_space<vmem>> -> memref<1x32x1024xf32, #tpu.memory_space<vmem>>
        %dma_start3A_105 = tpu.memref_squeeze %dma_start3A_104 : memref<1x32x1024xf32, #tpu.memory_space<vmem>> -> memref<32x1024xf32, #tpu.memory_space<vmem>>
        %dma_start3A_106 = arith.constant 0 : i32
        %dma_start3A_107 = tpu.memref_slice %arg2[%add3A_65, %dma_start3A_106] : memref<16384x1024xf32, #tpu.memory_space<hbm>> -> memref<32x1024xf32, #tpu.memory_space<hbm>>
        %dma_start3A_108 = tpu.memref_slice %arg10[%select_n3A_101] : memref<2x!tpu.dma_semaphore, #tpu.memory_space<semaphore_mem>> -> memref<1x!tpu.dma_semaphore, #tpu.memory_space<semaphore_mem>>
        %dma_start3A_109 = tpu.memref_squeeze %dma_start3A_108 : memref<1x!tpu.dma_semaphore, #tpu.memory_space<semaphore_mem>> -> memref<!tpu.dma_semaphore, #tpu.memory_space<semaphore_mem>>
        %dma_start3A_110 = arith.constant 0 : i32
        %dma_start3A_111 = arith.constant 0 : i32
        %dma_start3A_112 = tpu.memref_slice %arg6[%select_n3A_83, %dma_start3A_110, %dma_start3A_111] : memref<2x32x1024xf32, #tpu.memory_space<vmem>> -> memref<1x32x1024xf32, #tpu.memory_space<vmem>>
        %dma_start3A_113 = tpu.memref_squeeze %dma_start3A_112 : memref<1x32x1024xf32, #tpu.memory_space<vmem>> -> memref<32x1024xf32, #tpu.memory_space<vmem>>
        %dma_start3A_114 = arith.constant 0 : i32
        %dma_start3A_115 = tpu.memref_slice %arg2[%add3A_65, %dma_start3A_114] : memref<16384x1024xf32, #tpu.memory_space<hbm>> -> memref<32x1024xf32, #tpu.memory_space<hbm>>
        tpu.enqueue_dma source(%dma_start3A_115 : memref<32x1024xf32, #tpu.memory_space<hbm>>) target(%dma_start3A_113 : memref<32x1024xf32, #tpu.memory_space<vmem>>) target_semaphore(%dma_start3A_109 : memref<!tpu.dma_semaphore, #tpu.memory_space<semaphore_mem>>)
      } else {
      }
      %dma_wait3A = arith.constant 0 : i32
      %dma_wait3A_43 = arith.constant 0 : i32
      %dma_wait3A_44 = tpu.memref_slice %arg6[%select_n3A_34, %dma_wait3A, %dma_wait3A_43] : memref<2x32x1024xf32, #tpu.memory_space<vmem>> -> memref<1x32x1024xf32, #tpu.memory_space<vmem>>
      %dma_wait3A_45 = tpu.memref_squeeze %dma_wait3A_44 : memref<1x32x1024xf32, #tpu.memory_space<vmem>> -> memref<32x1024xf32, #tpu.memory_space<vmem>>
      %dma_wait3A_46 = arith.constant 0 : i32
      %dma_wait3A_47 = tpu.memref_slice %arg2[%add3A_37, %dma_wait3A_46] : memref<16384x1024xf32, #tpu.memory_space<hbm>> -> memref<32x1024xf32, #tpu.memory_space<hbm>>
      %dma_wait3A_48 = tpu.memref_slice %arg10[%select_n3A_34] : memref<2x!tpu.dma_semaphore, #tpu.memory_space<semaphore_mem>> -> memref<1x!tpu.dma_semaphore, #tpu.memory_space<semaphore_mem>>
      %dma_wait3A_49 = tpu.memref_squeeze %dma_wait3A_48 : memref<1x!tpu.dma_semaphore, #tpu.memory_space<semaphore_mem>> -> memref<!tpu.dma_semaphore, #tpu.memory_space<semaphore_mem>>
      %dma_wait3A_50 = arith.constant 0 : i32
      %dma_wait3A_51 = arith.constant 0 : i32
      %dma_wait3A_52 = tpu.memref_slice %arg6[%select_n3A_34, %dma_wait3A_50, %dma_wait3A_51] : memref<2x32x1024xf32, #tpu.memory_space<vmem>> -> memref<1x32x1024xf32, #tpu.memory_space<vmem>>
      %dma_wait3A_53 = tpu.memref_squeeze %dma_wait3A_52 : memref<1x32x1024xf32, #tpu.memory_space<vmem>> -> memref<32x1024xf32, #tpu.memory_space<vmem>>
      %dma_wait3A_54 = arith.constant 0 : i32
      %dma_wait3A_55 = tpu.memref_slice %arg2[%add3A_37, %dma_wait3A_54] : memref<16384x1024xf32, #tpu.memory_space<hbm>> -> memref<32x1024xf32, #tpu.memory_space<hbm>>
      tpu.wait_dma2 semaphore(%dma_wait3A_49 : memref<!tpu.dma_semaphore, #tpu.memory_space<semaphore_mem>>) src(%dma_wait3A_55 : memref<32x1024xf32, #tpu.memory_space<hbm>>) dst(%dma_wait3A_53 : memref<32x1024xf32, #tpu.memory_space<vmem>>)
      "tpu.region"() ({
        %run_scoped3A = tpu.sem_alloc : memref<!tpu.dma_semaphore, #tpu.memory_space<semaphore_mem>>
        %dma_start3A_64 = arith.constant 0 : i32
        %dma_start3A_65 = tpu.memref_slice %arg3[%add3A_37, %dma_start3A_64] : memref<16384x16xi32, #tpu.memory_space<hbm>> -> memref<32x16xi32, #tpu.memory_space<hbm>>
        %dma_start3A_66 = arith.constant 0 : i32
        %dma_start3A_67 = tpu.memref_slice %arg3[%add3A_37, %dma_start3A_66] : memref<16384x16xi32, #tpu.memory_space<hbm>> -> memref<32x16xi32, #tpu.memory_space<hbm>>
        tpu.enqueue_dma source(%dma_start3A_67 : memref<32x16xi32, #tpu.memory_space<hbm>>) target(%arg7 : memref<32x16xi32, #tpu.memory_space<vmem>>) target_semaphore(%run_scoped3A : memref<!tpu.dma_semaphore, #tpu.memory_space<semaphore_mem>>)
        %dma_wait3A_68 = arith.constant 0 : i32
        %dma_wait3A_69 = tpu.memref_slice %arg3[%add3A_37, %dma_wait3A_68] : memref<16384x16xi32, #tpu.memory_space<hbm>> -> memref<32x16xi32, #tpu.memory_space<hbm>>
        %dma_wait3A_70 = arith.constant 0 : i32
        %dma_wait3A_71 = tpu.memref_slice %arg3[%add3A_37, %dma_wait3A_70] : memref<16384x16xi32, #tpu.memory_space<hbm>> -> memref<32x16xi32, #tpu.memory_space<hbm>>
        tpu.wait_dma2 semaphore(%run_scoped3A : memref<!tpu.dma_semaphore, #tpu.memory_space<semaphore_mem>>) src(%dma_wait3A_71 : memref<32x16xi32, #tpu.memory_space<hbm>>) dst(%arg7 : memref<32x16xi32, #tpu.memory_space<vmem>>)
        tpu.yield
      }) : () -> ()
      %scan3A_56 = arith.constant 0 : i32
      %scan3A_57 = arith.constant 0 : i32
      %scan3A_58 = arith.constant 32 : i32
      %scan3A_59 = arith.addi %scan3A_57, %scan3A_58 : i32
      %scan3A_60 = arith.constant 2 : i32
      %scan3A_61 = scf.for %scan3A_64 = %scan3A_57 to %scan3A_59 step %scan3A_60 iter_args(%scan3A_65 = %scan3A_56) -> (i32)  : i32 {
        %get3A = arith.index_cast %scan3A_64 : i32 to index
        %get3A_66 = arith.constant 0 : index
        %get3A_67 = tpu.vector_load %arg7[%get3A, %get3A_66] {strides = array<i32>} : memref<32x16xi32, #tpu.memory_space<vmem>>, vector<16xi32>,
        %mul3A_68 = arith.constant 8 : i32
        %mul3A_69 = vector.broadcast %mul3A_68 : i32 to vector<16xi32>
        %mul3A_70 = arith.muli %get3A_67, %mul3A_69 : vector<16xi32>
        %add3A_71 = arith.addi %add3A_37, %scan3A_64 : i32
        %jit3A_72 = arith.constant 1024 : i32
        %div3A = arith.divsi %add3A_71, %jit3A_72 : i32
        %sign3A = arith.constant 0 : i32
        %sign3A_73 = arith.cmpi sgt, %add3A_71, %sign3A : i32
        %sign3A_74 = arith.extui %sign3A_73 : i1 to i32
        %sign3A_75 = arith.constant 0 : i32
        %sign3A_76 = arith.cmpi slt, %add3A_71, %sign3A_75 : i32
        %sign3A_77 = arith.extui %sign3A_76 : i1 to i32
        %sign3A_78 = arith.subi %sign3A_74, %sign3A_77 : i32
        %sign3A_79 = arith.constant 0 : i32
        %sign3A_80 = arith.cmpi sgt, %jit3A_72, %sign3A_79 : i32
        %sign3A_81 = arith.extui %sign3A_80 : i1 to i32
        %sign3A_82 = arith.constant 0 : i32
        %sign3A_83 = arith.cmpi slt, %jit3A_72, %sign3A_82 : i32
        %sign3A_84 = arith.extui %sign3A_83 : i1 to i32
        %sign3A_85 = arith.subi %sign3A_81, %sign3A_84 : i32
        %ne3A_86 = arith.cmpi ne, %sign3A_78, %sign3A_85 : i32
        %rem3A_87 = arith.remsi %add3A_71, %jit3A_72 : i32
        %ne3A_88 = arith.constant 0 : i32
        %ne3A_89 = arith.cmpi ne, %rem3A_87, %ne3A_88 : i32
        %and3A_90 = arith.andi %ne3A_86, %ne3A_89 : i1
        %sub3A = arith.constant 1 : i32
        %sub3A_91 = arith.subi %div3A, %sub3A : i32
        %select_n3A_92 = arith.select %and3A_90, %sub3A_91, %div3A : i32
        %mul3A_93 = arith.constant 1024 : i32
        %mul3A_94 = arith.muli %select_n3A_92, %mul3A_93 : i32
        %broadcast_in_dim3A = vector.broadcast %select_n3A_34 : i32 to vector<16xi32>
        %broadcast_in_dim3A_95 = vector.broadcast %scan3A_64 : i32 to vector<16xi32>
        %add3A_96 = arith.constant 0 : i32
        %add3A_97 = vector.broadcast %add3A_96 : i32 to vector<16xi32>
        %add3A_98 = arith.addi %mul3A_70, %add3A_97 : vector<16xi32>
        %gather3A = tpu.vector_load_idx %arg6[%broadcast_in_dim3A, %broadcast_in_dim3A_95, %add3A_98] : memref<2x32x1024xf32, #tpu.memory_space<vmem>>[vector<16xi32>, vector<16xi32>, vector<16xi32>], vector<16xf32>,
        %add3A_99 = arith.constant 0 : i32
        %add3A_100 = arith.addi %mul3A_94, %add3A_99 : i32
        %add3A_101 = vector.broadcast %add3A_100 : i32 to vector<16xi32>
        %add3A_102 = arith.addi %mul3A_70, %add3A_101 : vector<16xi32>
        %masked_sort3A = arith.constant dense<true> : vector<16xi1>
        %masked_sort3A_103, %masked_sort3A_104, %masked_sort3A_105 = tpu.sort %gather3A, %add3A_102 masked %masked_sort3A {descending = true} : (vector<16xf32>, vector<16xi32>, vector<16xi1>) -> (vector<16xi1>, vector<16xf32>, vector<16xi32>)
        %add3A_106 = arith.constant 1 : i32
        %add3A_107 = vector.broadcast %add3A_106 : i32 to vector<16xi32>
        %add3A_108 = arith.addi %mul3A_70, %add3A_107 : vector<16xi32>
        %gather3A_109 = tpu.vector_load_idx %arg6[%broadcast_in_dim3A, %broadcast_in_dim3A_95, %add3A_108] : memref<2x32x1024xf32, #tpu.memory_space<vmem>>[vector<16xi32>, vector<16xi32>, vector<16xi32>], vector<16xf32>,
        %add3A_110 = arith.constant 1 : i32
        %add3A_111 = arith.addi %mul3A_94, %add3A_110 : i32
        %add3A_112 = vector.broadcast %add3A_111 : i32 to vector<16xi32>
        %add3A_113 = arith.addi %mul3A_70, %add3A_112 : vector<16xi32>
        %masked_sort3A_114 = arith.constant dense<true> : vector<16xi1>
        %masked_sort3A_115, %masked_sort3A_116, %masked_sort3A_117 = tpu.sort %gather3A_109, %add3A_113 masked %masked_sort3A_114 : (vector<16xf32>, vector<16xi32>, vector<16xi1>) -> (vector<16xi1>, vector<16xf32>, vector<16xi32>)
        %add3A_118 = arith.constant 2 : i32
        %add3A_119 = vector.broadcast %add3A_118 : i32 to vector<16xi32>
        %add3A_120 = arith.addi %mul3A_70, %add3A_119 : vector<16xi32>
        %gather3A_121 = tpu.vector_load_idx %arg6[%broadcast_in_dim3A, %broadcast_in_dim3A_95, %add3A_120] : memref<2x32x1024xf32, #tpu.memory_space<vmem>>[vector<16xi32>, vector<16xi32>, vector<16xi32>], vector<16xf32>,
        %add3A_122 = arith.constant 2 : i32
        %add3A_123 = arith.addi %mul3A_94, %add3A_122 : i32
        %add3A_124 = vector.broadcast %add3A_123 : i32 to vector<16xi32>
        %add3A_125 = arith.addi %mul3A_70, %add3A_124 : vector<16xi32>
        %masked_sort3A_126 = arith.constant dense<true> : vector<16xi1>
        %masked_sort3A_127, %masked_sort3A_128, %masked_sort3A_129 = tpu.sort %gather3A_121, %add3A_125 masked %masked_sort3A_126 {descending = true} : (vector<16xf32>, vector<16xi32>, vector<16xi1>) -> (vector<16xi1>, vector<16xf32>, vector<16xi32>)
        %add3A_130 = arith.constant 3 : i32
        %add3A_131 = vector.broadcast %add3A_130 : i32 to vector<16xi32>
        %add3A_132 = arith.addi %mul3A_70, %add3A_131 : vector<16xi32>
        %gather3A_133 = tpu.vector_load_idx %arg6[%broadcast_in_dim3A, %broadcast_in_dim3A_95, %add3A_132] : memref<2x32x1024xf32, #tpu.memory_space<vmem>>[vector<16xi32>, vector<16xi32>, vector<16xi32>], vector<16xf32>,
        %add3A_134 = arith.constant 3 : i32
        %add3A_135 = arith.addi %mul3A_94, %add3A_134 : i32
        %add3A_136 = vector.broadcast %add3A_135 : i32 to vector<16xi32>
        %add3A_137 = arith.addi %mul3A_70, %add3A_136 : vector<16xi32>
        %masked_sort3A_138 = arith.constant dense<true> : vector<16xi1>
        %masked_sort3A_139, %masked_sort3A_140, %masked_sort3A_141 = tpu.sort %gather3A_133, %add3A_137 masked %masked_sort3A_138 : (vector<16xf32>, vector<16xi32>, vector<16xi1>) -> (vector<16xi1>, vector<16xf32>, vector<16xi32>)
        %add3A_142 = arith.constant 4 : i32
        %add3A_143 = vector.broadcast %add3A_142 : i32 to vector<16xi32>
        %add3A_144 = arith.addi %mul3A_70, %add3A_143 : vector<16xi32>
        %gather3A_145 = tpu.vector_load_idx %arg6[%broadcast_in_dim3A, %broadcast_in_dim3A_95, %add3A_144] : memref<2x32x1024xf32, #tpu.memory_space<vmem>>[vector<16xi32>, vector<16xi32>, vector<16xi32>], vector<16xf32>,
        %add3A_146 = arith.constant 4 : i32
        %add3A_147 = arith.addi %mul3A_94, %add3A_146 : i32
        %add3A_148 = vector.broadcast %add3A_147 : i32 to vector<16xi32>
        %add3A_149 = arith.addi %mul3A_70, %add3A_148 : vector<16xi32>
        %masked_sort3A_150 = arith.constant dense<true> : vector<16xi1>
        %masked_sort3A_151, %masked_sort3A_152, %masked_sort3A_153 = tpu.sort %gather3A_145, %add3A_149 masked %masked_sort3A_150 {descending = true} : (vector<16xf32>, vector<16xi32>, vector<16xi1>) -> (vector<16xi1>, vector<16xf32>, vector<16xi32>)
        %add3A_154 = arith.constant 5 : i32
        %add3A_155 = vector.broadcast %add3A_154 : i32 to vector<16xi32>
        %add3A_156 = arith.addi %mul3A_70, %add3A_155 : vector<16xi32>
        %gather3A_157 = tpu.vector_load_idx %arg6[%broadcast_in_dim3A, %broadcast_in_dim3A_95, %add3A_156] : memref<2x32x1024xf32, #tpu.memory_space<vmem>>[vector<16xi32>, vector<16xi32>, vector<16xi32>], vector<16xf32>,
        %add3A_158 = arith.constant 5 : i32
        %add3A_159 = arith.addi %mul3A_94, %add3A_158 : i32
        %add3A_160 = vector.broadcast %add3A_159 : i32 to vector<16xi32>
        %add3A_161 = arith.addi %mul3A_70, %add3A_160 : vector<16xi32>
        %masked_sort3A_162 = arith.constant dense<true> : vector<16xi1>
        %masked_sort3A_163, %masked_sort3A_164, %masked_sort3A_165 = tpu.sort %gather3A_157, %add3A_161 masked %masked_sort3A_162 : (vector<16xf32>, vector<16xi32>, vector<16xi1>) -> (vector<16xi1>, vector<16xf32>, vector<16xi32>)
        %add3A_166 = arith.constant 6 : i32
        %add3A_167 = vector.broadcast %add3A_166 : i32 to vector<16xi32>
        %add3A_168 = arith.addi %mul3A_70, %add3A_167 : vector<16xi32>
        %gather3A_169 = tpu.vector_load_idx %arg6[%broadcast_in_dim3A, %broadcast_in_dim3A_95, %add3A_168] : memref<2x32x1024xf32, #tpu.memory_space<vmem>>[vector<16xi32>, vector<16xi32>, vector<16xi32>], vector<16xf32>,
        %add3A_170 = arith.constant 6 : i32
        %add3A_171 = arith.addi %mul3A_94, %add3A_170 : i32
        %add3A_172 = vector.broadcast %add3A_171 : i32 to vector<16xi32>
        %add3A_173 = arith.addi %mul3A_70, %add3A_172 : vector<16xi32>
        %masked_sort3A_174 = arith.constant dense<true> : vector<16xi1>
        %masked_sort3A_175, %masked_sort3A_176, %masked_sort3A_177 = tpu.sort %gather3A_169, %add3A_173 masked %masked_sort3A_174 {descending = true} : (vector<16xf32>, vector<16xi32>, vector<16xi1>) -> (vector<16xi1>, vector<16xf32>, vector<16xi32>)
        %add3A_178 = arith.constant 7 : i32
        %add3A_179 = vector.broadcast %add3A_178 : i32 to vector<16xi32>
        %add3A_180 = arith.addi %mul3A_70, %add3A_179 : vector<16xi32>
        %gather3A_181 = tpu.vector_load_idx %arg6[%broadcast_in_dim3A, %broadcast_in_dim3A_95, %add3A_180] : memref<2x32x1024xf32, #tpu.memory_space<vmem>>[vector<16xi32>, vector<16xi32>, vector<16xi32>], vector<16xf32>,
        %add3A_182 = arith.constant 7 : i32
        %add3A_183 = arith.addi %mul3A_94, %add3A_182 : i32
        %add3A_184 = vector.broadcast %add3A_183 : i32 to vector<16xi32>
        %add3A_185 = arith.addi %mul3A_70, %add3A_184 : vector<16xi32>
        %masked_sort3A_186 = arith.constant dense<true> : vector<16xi1>
        %masked_sort3A_187, %masked_sort3A_188, %masked_sort3A_189 = tpu.sort %gather3A_181, %add3A_185 masked %masked_sort3A_186 : (vector<16xf32>, vector<16xi32>, vector<16xi1>) -> (vector<16xi1>, vector<16xf32>, vector<16xi32>)
        %ge3A = arith.cmpf oge, %masked_sort3A_104, %masked_sort3A_116 : vector<16xf32>
        %select_n3A_190 = arith.select %ge3A, %masked_sort3A_104, %masked_sort3A_116 : vector<16xi1>, vector<16xf32>
        %select_n3A_191 = arith.select %ge3A, %masked_sort3A_105, %masked_sort3A_117 : vector<16xi1>, vector<16xi32>
        %masked_sort3A_192 = arith.constant dense<true> : vector<16xi1>
        %masked_sort3A_193, %masked_sort3A_194, %masked_sort3A_195 = tpu.sort %select_n3A_190, %select_n3A_191 masked %masked_sort3A_192 {descending = true} : (vector<16xf32>, vector<16xi32>, vector<16xi1>) -> (vector<16xi1>, vector<16xf32>, vector<16xi32>)
        %ge3A_196 = arith.cmpf oge, %masked_sort3A_128, %masked_sort3A_140 : vector<16xf32>
        %select_n3A_197 = arith.select %ge3A_196, %masked_sort3A_128, %masked_sort3A_140 : vector<16xi1>, vector<16xf32>
        %select_n3A_198 = arith.select %ge3A_196, %masked_sort3A_129, %masked_sort3A_141 : vector<16xi1>, vector<16xi32>
        %masked_sort3A_199 = arith.constant dense<true> : vector<16xi1>
        %masked_sort3A_200, %masked_sort3A_201, %masked_sort3A_202 = tpu.sort %select_n3A_197, %select_n3A_198 masked %masked_sort3A_199 : (vector<16xf32>, vector<16xi32>, vector<16xi1>) -> (vector<16xi1>, vector<16xf32>, vector<16xi32>)
        %ge3A_203 = arith.cmpf oge, %masked_sort3A_152, %masked_sort3A_164 : vector<16xf32>
        %select_n3A_204 = arith.select %ge3A_203, %masked_sort3A_152, %masked_sort3A_164 : vector<16xi1>, vector<16xf32>
        %select_n3A_205 = arith.select %ge3A_203, %masked_sort3A_153, %masked_sort3A_165 : vector<16xi1>, vector<16xi32>
        %masked_sort3A_206 = arith.constant dense<true> : vector<16xi1>
        %masked_sort3A_207, %masked_sort3A_208, %masked_sort3A_209 = tpu.sort %select_n3A_204, %select_n3A_205 masked %masked_sort3A_206 {descending = true} : (vector<16xf32>, vector<16xi32>, vector<16xi1>) -> (vector<16xi1>, vector<16xf32>, vector<16xi32>)
        %ge3A_210 = arith.cmpf oge, %masked_sort3A_176, %masked_sort3A_188 : vector<16xf32>
        %select_n3A_211 = arith.select %ge3A_210, %masked_sort3A_176, %masked_sort3A_188 : vector<16xi1>, vector<16xf32>
        %select_n3A_212 = arith.select %ge3A_210, %masked_sort3A_177, %masked_sort3A_189 : vector<16xi1>, vector<16xi32>
        %masked_sort3A_213 = arith.constant dense<true> : vector<16xi1>
        %masked_sort3A_214, %masked_sort3A_215, %masked_sort3A_216 = tpu.sort %select_n3A_211, %select_n3A_212 masked %masked_sort3A_213 : (vector<16xf32>, vector<16xi32>, vector<16xi1>) -> (vector<16xi1>, vector<16xf32>, vector<16xi32>)
        %ge3A_217 = arith.cmpf oge, %masked_sort3A_194, %masked_sort3A_201 : vector<16xf32>
        %select_n3A_218 = arith.select %ge3A_217, %masked_sort3A_194, %masked_sort3A_201 : vector<16xi1>, vector<16xf32>
        %select_n3A_219 = arith.select %ge3A_217, %masked_sort3A_195, %masked_sort3A_202 : vector<16xi1>, vector<16xi32>
        %masked_sort3A_220 = arith.constant dense<true> : vector<16xi1>
        %masked_sort3A_221, %masked_sort3A_222, %masked_sort3A_223 = tpu.sort %select_n3A_218, %select_n3A_219 masked %masked_sort3A_220 {descending = true} : (vector<16xf32>, vector<16xi32>, vector<16xi1>) -> (vector<16xi1>, vector<16xf32>, vector<16xi32>)
        %ge3A_224 = arith.cmpf oge, %masked_sort3A_208, %masked_sort3A_215 : vector<16xf32>
        %select_n3A_225 = arith.select %ge3A_224, %masked_sort3A_208, %masked_sort3A_215 : vector<16xi1>, vector<16xf32>
        %select_n3A_226 = arith.select %ge3A_224, %masked_sort3A_209, %masked_sort3A_216 : vector<16xi1>, vector<16xi32>
        %masked_sort3A_227 = arith.constant dense<true> : vector<16xi1>
        %masked_sort3A_228, %masked_sort3A_229, %masked_sort3A_230 = tpu.sort %select_n3A_225, %select_n3A_226 masked %masked_sort3A_227 : (vector<16xf32>, vector<16xi32>, vector<16xi1>) -> (vector<16xi1>, vector<16xf32>, vector<16xi32>)
        %ge3A_231 = arith.cmpf oge, %masked_sort3A_222, %masked_sort3A_229 : vector<16xf32>
        %select_n3A_232 = arith.select %ge3A_231, %masked_sort3A_222, %masked_sort3A_229 : vector<16xi1>, vector<16xf32>
        %select_n3A_233 = arith.select %ge3A_231, %masked_sort3A_223, %masked_sort3A_230 : vector<16xi1>, vector<16xi32>
        %masked_sort3A_234 = arith.constant dense<true> : vector<16xi1>
        %masked_sort3A_235, %masked_sort3A_236, %masked_sort3A_237 = tpu.sort %select_n3A_232, %select_n3A_233 masked %masked_sort3A_234 {descending = true} : (vector<16xf32>, vector<16xi32>, vector<16xi1>) -> (vector<16xi1>, vector<16xf32>, vector<16xi32>)
        %swap3A = arith.index_cast %scan3A_64 : i32 to index
        %swap3A_238 = arith.constant 0 : index
        %swap3A_239 = tpu.vector_load %arg8[%swap3A, %swap3A_238] {strides = array<i32>} : memref<32x16xf32, #tpu.memory_space<vmem>>, vector<16xf32>,
        tpu.vector_store %arg8[%swap3A, %swap3A_238], %masked_sort3A_236 {strides = array<i32>} : memref<32x16xf32, #tpu.memory_space<vmem>>, vector<16xf32>,
        %swap3A_240 = arith.index_cast %scan3A_64 : i32 to index
        %swap3A_241 = arith.constant 0 : index
        %swap3A_242 = tpu.vector_load %arg9[%swap3A_240, %swap3A_241] {strides = array<i32>} : memref<32x16xi32, #tpu.memory_space<vmem>>, vector<16xi32>,
        tpu.vector_store %arg9[%swap3A_240, %swap3A_241], %masked_sort3A_237 {strides = array<i32>} : memref<32x16xi32, #tpu.memory_space<vmem>>, vector<16xi32>,
        %scan3A_243 = arith.constant 0 : i32
        %scan3A_244 = arith.constant 1 : i32
        %scan3A_245 = arith.addi %scan3A_64, %scan3A_244 : i32
        %get3A_246 = arith.index_cast %scan3A_245 : i32 to index
        %get3A_247 = arith.constant 0 : index
        %get3A_248 = tpu.vector_load %arg7[%get3A_246, %get3A_247] {strides = array<i32>} : memref<32x16xi32, #tpu.memory_space<vmem>>, vector<16xi32>,
        %mul3A_249 = arith.constant 8 : i32
        %mul3A_250 = vector.broadcast %mul3A_249 : i32 to vector<16xi32>
        %mul3A_251 = arith.muli %get3A_248, %mul3A_250 : vector<16xi32>
        %add3A_252 = arith.addi %add3A_37, %scan3A_245 : i32
        %jit3A_253 = arith.constant 1024 : i32
        %div3A_254 = arith.divsi %add3A_252, %jit3A_253 : i32
        %sign3A_255 = arith.constant 0 : i32
        %sign3A_256 = arith.cmpi sgt, %add3A_252, %sign3A_255 : i32
        %sign3A_257 = arith.extui %sign3A_256 : i1 to i32
        %sign3A_258 = arith.constant 0 : i32
        %sign3A_259 = arith.cmpi slt, %add3A_252, %sign3A_258 : i32
        %sign3A_260 = arith.extui %sign3A_259 : i1 to i32
        %sign3A_261 = arith.subi %sign3A_257, %sign3A_260 : i32
        %sign3A_262 = arith.constant 0 : i32
        %sign3A_263 = arith.cmpi sgt, %jit3A_253, %sign3A_262 : i32
        %sign3A_264 = arith.extui %sign3A_263 : i1 to i32
        %sign3A_265 = arith.constant 0 : i32
        %sign3A_266 = arith.cmpi slt, %jit3A_253, %sign3A_265 : i32
        %sign3A_267 = arith.extui %sign3A_266 : i1 to i32
        %sign3A_268 = arith.subi %sign3A_264, %sign3A_267 : i32
        %ne3A_269 = arith.cmpi ne, %sign3A_261, %sign3A_268 : i32
        %rem3A_270 = arith.remsi %add3A_252, %jit3A_253 : i32
        %ne3A_271 = arith.constant 0 : i32
        %ne3A_272 = arith.cmpi ne, %rem3A_270, %ne3A_271 : i32
        %and3A_273 = arith.andi %ne3A_269, %ne3A_272 : i1
        %sub3A_274 = arith.constant 1 : i32
        %sub3A_275 = arith.subi %div3A_254, %sub3A_274 : i32
        %select_n3A_276 = arith.select %and3A_273, %sub3A_275, %div3A_254 : i32
        %mul3A_277 = arith.constant 1024 : i32
        %mul3A_278 = arith.muli %select_n3A_276, %mul3A_277 : i32
        %broadcast_in_dim3A_279 = vector.broadcast %select_n3A_34 : i32 to vector<16xi32>
        %broadcast_in_dim3A_280 = vector.broadcast %scan3A_245 : i32 to vector<16xi32>
        %add3A_281 = arith.constant 0 : i32
        %add3A_282 = vector.broadcast %add3A_281 : i32 to vector<16xi32>
        %add3A_283 = arith.addi %mul3A_251, %add3A_282 : vector<16xi32>
        %gather3A_284 = tpu.vector_load_idx %arg6[%broadcast_in_dim3A_279, %broadcast_in_dim3A_280, %add3A_283] : memref<2x32x1024xf32, #tpu.memory_space<vmem>>[vector<16xi32>, vector<16xi32>, vector<16xi32>], vector<16xf32>,
        %add3A_285 = arith.constant 0 : i32
        %add3A_286 = arith.addi %mul3A_278, %add3A_285 : i32
        %add3A_287 = vector.broadcast %add3A_286 : i32 to vector<16xi32>
        %add3A_288 = arith.addi %mul3A_251, %add3A_287 : vector<16xi32>
        %masked_sort3A_289 = arith.constant dense<true> : vector<16xi1>
        %masked_sort3A_290, %masked_sort3A_291, %masked_sort3A_292 = tpu.sort %gather3A_284, %add3A_288 masked %masked_sort3A_289 {descending = true} : (vector<16xf32>, vector<16xi32>, vector<16xi1>) -> (vector<16xi1>, vector<16xf32>, vector<16xi32>)
        %add3A_293 = arith.constant 1 : i32
        %add3A_294 = vector.broadcast %add3A_293 : i32 to vector<16xi32>
        %add3A_295 = arith.addi %mul3A_251, %add3A_294 : vector<16xi32>
        %gather3A_296 = tpu.vector_load_idx %arg6[%broadcast_in_dim3A_279, %broadcast_in_dim3A_280, %add3A_295] : memref<2x32x1024xf32, #tpu.memory_space<vmem>>[vector<16xi32>, vector<16xi32>, vector<16xi32>], vector<16xf32>,
        %add3A_297 = arith.constant 1 : i32
        %add3A_298 = arith.addi %mul3A_278, %add3A_297 : i32
        %add3A_299 = vector.broadcast %add3A_298 : i32 to vector<16xi32>
        %add3A_300 = arith.addi %mul3A_251, %add3A_299 : vector<16xi32>
        %masked_sort3A_301 = arith.constant dense<true> : vector<16xi1>
        %masked_sort3A_302, %masked_sort3A_303, %masked_sort3A_304 = tpu.sort %gather3A_296, %add3A_300 masked %masked_sort3A_301 : (vector<16xf32>, vector<16xi32>, vector<16xi1>) -> (vector<16xi1>, vector<16xf32>, vector<16xi32>)
        %add3A_305 = arith.constant 2 : i32
        %add3A_306 = vector.broadcast %add3A_305 : i32 to vector<16xi32>
        %add3A_307 = arith.addi %mul3A_251, %add3A_306 : vector<16xi32>
        %gather3A_308 = tpu.vector_load_idx %arg6[%broadcast_in_dim3A_279, %broadcast_in_dim3A_280, %add3A_307] : memref<2x32x1024xf32, #tpu.memory_space<vmem>>[vector<16xi32>, vector<16xi32>, vector<16xi32>], vector<16xf32>,
        %add3A_309 = arith.constant 2 : i32
        %add3A_310 = arith.addi %mul3A_278, %add3A_309 : i32
        %add3A_311 = vector.broadcast %add3A_310 : i32 to vector<16xi32>
        %add3A_312 = arith.addi %mul3A_251, %add3A_311 : vector<16xi32>
        %masked_sort3A_313 = arith.constant dense<true> : vector<16xi1>
        %masked_sort3A_314, %masked_sort3A_315, %masked_sort3A_316 = tpu.sort %gather3A_308, %add3A_312 masked %masked_sort3A_313 {descending = true} : (vector<16xf32>, vector<16xi32>, vector<16xi1>) -> (vector<16xi1>, vector<16xf32>, vector<16xi32>)
        %add3A_317 = arith.constant 3 : i32
        %add3A_318 = vector.broadcast %add3A_317 : i32 to vector<16xi32>
        %add3A_319 = arith.addi %mul3A_251, %add3A_318 : vector<16xi32>
        %gather3A_320 = tpu.vector_load_idx %arg6[%broadcast_in_dim3A_279, %broadcast_in_dim3A_280, %add3A_319] : memref<2x32x1024xf32, #tpu.memory_space<vmem>>[vector<16xi32>, vector<16xi32>, vector<16xi32>], vector<16xf32>,
        %add3A_321 = arith.constant 3 : i32
        %add3A_322 = arith.addi %mul3A_278, %add3A_321 : i32
        %add3A_323 = vector.broadcast %add3A_322 : i32 to vector<16xi32>
        %add3A_324 = arith.addi %mul3A_251, %add3A_323 : vector<16xi32>
        %masked_sort3A_325 = arith.constant dense<true> : vector<16xi1>
        %masked_sort3A_326, %masked_sort3A_327, %masked_sort3A_328 = tpu.sort %gather3A_320, %add3A_324 masked %masked_sort3A_325 : (vector<16xf32>, vector<16xi32>, vector<16xi1>) -> (vector<16xi1>, vector<16xf32>, vector<16xi32>)
        %add3A_329 = arith.constant 4 : i32
        %add3A_330 = vector.broadcast %add3A_329 : i32 to vector<16xi32>
        %add3A_331 = arith.addi %mul3A_251, %add3A_330 : vector<16xi32>
        %gather3A_332 = tpu.vector_load_idx %arg6[%broadcast_in_dim3A_279, %broadcast_in_dim3A_280, %add3A_331] : memref<2x32x1024xf32, #tpu.memory_space<vmem>>[vector<16xi32>, vector<16xi32>, vector<16xi32>], vector<16xf32>,
        %add3A_333 = arith.constant 4 : i32
        %add3A_334 = arith.addi %mul3A_278, %add3A_333 : i32
        %add3A_335 = vector.broadcast %add3A_334 : i32 to vector<16xi32>
        %add3A_336 = arith.addi %mul3A_251, %add3A_335 : vector<16xi32>
        %masked_sort3A_337 = arith.constant dense<true> : vector<16xi1>
        %masked_sort3A_338, %masked_sort3A_339, %masked_sort3A_340 = tpu.sort %gather3A_332, %add3A_336 masked %masked_sort3A_337 {descending = true} : (vector<16xf32>, vector<16xi32>, vector<16xi1>) -> (vector<16xi1>, vector<16xf32>, vector<16xi32>)
        %add3A_341 = arith.constant 5 : i32
        %add3A_342 = vector.broadcast %add3A_341 : i32 to vector<16xi32>
        %add3A_343 = arith.addi %mul3A_251, %add3A_342 : vector<16xi32>
        %gather3A_344 = tpu.vector_load_idx %arg6[%broadcast_in_dim3A_279, %broadcast_in_dim3A_280, %add3A_343] : memref<2x32x1024xf32, #tpu.memory_space<vmem>>[vector<16xi32>, vector<16xi32>, vector<16xi32>], vector<16xf32>,
        %add3A_345 = arith.constant 5 : i32
        %add3A_346 = arith.addi %mul3A_278, %add3A_345 : i32
        %add3A_347 = vector.broadcast %add3A_346 : i32 to vector<16xi32>
        %add3A_348 = arith.addi %mul3A_251, %add3A_347 : vector<16xi32>
        %masked_sort3A_349 = arith.constant dense<true> : vector<16xi1>
        %masked_sort3A_350, %masked_sort3A_351, %masked_sort3A_352 = tpu.sort %gather3A_344, %add3A_348 masked %masked_sort3A_349 : (vector<16xf32>, vector<16xi32>, vector<16xi1>) -> (vector<16xi1>, vector<16xf32>, vector<16xi32>)
        %add3A_353 = arith.constant 6 : i32
        %add3A_354 = vector.broadcast %add3A_353 : i32 to vector<16xi32>
        %add3A_355 = arith.addi %mul3A_251, %add3A_354 : vector<16xi32>
        %gather3A_356 = tpu.vector_load_idx %arg6[%broadcast_in_dim3A_279, %broadcast_in_dim3A_280, %add3A_355] : memref<2x32x1024xf32, #tpu.memory_space<vmem>>[vector<16xi32>, vector<16xi32>, vector<16xi32>], vector<16xf32>,
        %add3A_357 = arith.constant 6 : i32
        %add3A_358 = arith.addi %mul3A_278, %add3A_357 : i32
        %add3A_359 = vector.broadcast %add3A_358 : i32 to vector<16xi32>
        %add3A_360 = arith.addi %mul3A_251, %add3A_359 : vector<16xi32>
        %masked_sort3A_361 = arith.constant dense<true> : vector<16xi1>
        %masked_sort3A_362, %masked_sort3A_363, %masked_sort3A_364 = tpu.sort %gather3A_356, %add3A_360 masked %masked_sort3A_361 {descending = true} : (vector<16xf32>, vector<16xi32>, vector<16xi1>) -> (vector<16xi1>, vector<16xf32>, vector<16xi32>)
        %add3A_365 = arith.constant 7 : i32
        %add3A_366 = vector.broadcast %add3A_365 : i32 to vector<16xi32>
        %add3A_367 = arith.addi %mul3A_251, %add3A_366 : vector<16xi32>
        %gather3A_368 = tpu.vector_load_idx %arg6[%broadcast_in_dim3A_279, %broadcast_in_dim3A_280, %add3A_367] : memref<2x32x1024xf32, #tpu.memory_space<vmem>>[vector<16xi32>, vector<16xi32>, vector<16xi32>], vector<16xf32>,
        %add3A_369 = arith.constant 7 : i32
        %add3A_370 = arith.addi %mul3A_278, %add3A_369 : i32
        %add3A_371 = vector.broadcast %add3A_370 : i32 to vector<16xi32>
        %add3A_372 = arith.addi %mul3A_251, %add3A_371 : vector<16xi32>
        %masked_sort3A_373 = arith.constant dense<true> : vector<16xi1>
        %masked_sort3A_374, %masked_sort3A_375, %masked_sort3A_376 = tpu.sort %gather3A_368, %add3A_372 masked %masked_sort3A_373 : (vector<16xf32>, vector<16xi32>, vector<16xi1>) -> (vector<16xi1>, vector<16xf32>, vector<16xi32>)
        %ge3A_377 = arith.cmpf oge, %masked_sort3A_291, %masked_sort3A_303 : vector<16xf32>
        %select_n3A_378 = arith.select %ge3A_377, %masked_sort3A_291, %masked_sort3A_303 : vector<16xi1>, vector<16xf32>
        %select_n3A_379 = arith.select %ge3A_377, %masked_sort3A_292, %masked_sort3A_304 : vector<16xi1>, vector<16xi32>
        %masked_sort3A_380 = arith.constant dense<true> : vector<16xi1>
        %masked_sort3A_381, %masked_sort3A_382, %masked_sort3A_383 = tpu.sort %select_n3A_378, %select_n3A_379 masked %masked_sort3A_380 {descending = true} : (vector<16xf32>, vector<16xi32>, vector<16xi1>) -> (vector<16xi1>, vector<16xf32>, vector<16xi32>)
        %ge3A_384 = arith.cmpf oge, %masked_sort3A_315, %masked_sort3A_327 : vector<16xf32>
        %select_n3A_385 = arith.select %ge3A_384, %masked_sort3A_315, %masked_sort3A_327 : vector<16xi1>, vector<16xf32>
        %select_n3A_386 = arith.select %ge3A_384, %masked_sort3A_316, %masked_sort3A_328 : vector<16xi1>, vector<16xi32>
        %masked_sort3A_387 = arith.constant dense<true> : vector<16xi1>
        %masked_sort3A_388, %masked_sort3A_389, %masked_sort3A_390 = tpu.sort %select_n3A_385, %select_n3A_386 masked %masked_sort3A_387 : (vector<16xf32>, vector<16xi32>, vector<16xi1>) -> (vector<16xi1>, vector<16xf32>, vector<16xi32>)
        %ge3A_391 = arith.cmpf oge, %masked_sort3A_339, %masked_sort3A_351 : vector<16xf32>
        %select_n3A_392 = arith.select %ge3A_391, %masked_sort3A_339, %masked_sort3A_351 : vector<16xi1>, vector<16xf32>
        %select_n3A_393 = arith.select %ge3A_391, %masked_sort3A_340, %masked_sort3A_352 : vector<16xi1>, vector<16xi32>
        %masked_sort3A_394 = arith.constant dense<true> : vector<16xi1>
        %masked_sort3A_395, %masked_sort3A_396, %masked_sort3A_397 = tpu.sort %select_n3A_392, %select_n3A_393 masked %masked_sort3A_394 {descending = true} : (vector<16xf32>, vector<16xi32>, vector<16xi1>) -> (vector<16xi1>, vector<16xf32>, vector<16xi32>)
        %ge3A_398 = arith.cmpf oge, %masked_sort3A_363, %masked_sort3A_375 : vector<16xf32>
        %select_n3A_399 = arith.select %ge3A_398, %masked_sort3A_363, %masked_sort3A_375 : vector<16xi1>, vector<16xf32>
        %select_n3A_400 = arith.select %ge3A_398, %masked_sort3A_364, %masked_sort3A_376 : vector<16xi1>, vector<16xi32>
        %masked_sort3A_401 = arith.constant dense<true> : vector<16xi1>
        %masked_sort3A_402, %masked_sort3A_403, %masked_sort3A_404 = tpu.sort %select_n3A_399, %select_n3A_400 masked %masked_sort3A_401 : (vector<16xf32>, vector<16xi32>, vector<16xi1>) -> (vector<16xi1>, vector<16xf32>, vector<16xi32>)
        %ge3A_405 = arith.cmpf oge, %masked_sort3A_382, %masked_sort3A_389 : vector<16xf32>
        %select_n3A_406 = arith.select %ge3A_405, %masked_sort3A_382, %masked_sort3A_389 : vector<16xi1>, vector<16xf32>
        %select_n3A_407 = arith.select %ge3A_405, %masked_sort3A_383, %masked_sort3A_390 : vector<16xi1>, vector<16xi32>
        %masked_sort3A_408 = arith.constant dense<true> : vector<16xi1>
        %masked_sort3A_409, %masked_sort3A_410, %masked_sort3A_411 = tpu.sort %select_n3A_406, %select_n3A_407 masked %masked_sort3A_408 {descending = true} : (vector<16xf32>, vector<16xi32>, vector<16xi1>) -> (vector<16xi1>, vector<16xf32>, vector<16xi32>)
        %ge3A_412 = arith.cmpf oge, %masked_sort3A_396, %masked_sort3A_403 : vector<16xf32>
        %select_n3A_413 = arith.select %ge3A_412, %masked_sort3A_396, %masked_sort3A_403 : vector<16xi1>, vector<16xf32>
        %select_n3A_414 = arith.select %ge3A_412, %masked_sort3A_397, %masked_sort3A_404 : vector<16xi1>, vector<16xi32>
        %masked_sort3A_415 = arith.constant dense<true> : vector<16xi1>
        %masked_sort3A_416, %masked_sort3A_417, %masked_sort3A_418 = tpu.sort %select_n3A_413, %select_n3A_414 masked %masked_sort3A_415 : (vector<16xf32>, vector<16xi32>, vector<16xi1>) -> (vector<16xi1>, vector<16xf32>, vector<16xi32>)
        %ge3A_419 = arith.cmpf oge, %masked_sort3A_410, %masked_sort3A_417 : vector<16xf32>
        %select_n3A_420 = arith.select %ge3A_419, %masked_sort3A_410, %masked_sort3A_417 : vector<16xi1>, vector<16xf32>
        %select_n3A_421 = arith.select %ge3A_419, %masked_sort3A_411, %masked_sort3A_418 : vector<16xi1>, vector<16xi32>
        %masked_sort3A_422 = arith.constant dense<true> : vector<16xi1>
        %masked_sort3A_423, %masked_sort3A_424, %masked_sort3A_425 = tpu.sort %select_n3A_420, %select_n3A_421 masked %masked_sort3A_422 {descending = true} : (vector<16xf32>, vector<16xi32>, vector<16xi1>) -> (vector<16xi1>, vector<16xf32>, vector<16xi32>)
        %swap3A_426 = arith.index_cast %scan3A_245 : i32 to index
        %swap3A_427 = arith.constant 0 : index
        %swap3A_428 = tpu.vector_load %arg8[%swap3A_426, %swap3A_427] {strides = array<i32>} : memref<32x16xf32, #tpu.memory_space<vmem>>, vector<16xf32>,
        tpu.vector_store %arg8[%swap3A_426, %swap3A_427], %masked_sort3A_424 {strides = array<i32>} : memref<32x16xf32, #tpu.memory_space<vmem>>, vector<16xf32>,
        %swap3A_429 = arith.index_cast %scan3A_245 : i32 to index
        %swap3A_430 = arith.constant 0 : index
        %swap3A_431 = tpu.vector_load %arg9[%swap3A_429, %swap3A_430] {strides = array<i32>} : memref<32x16xi32, #tpu.memory_space<vmem>>, vector<16xi32>,
        tpu.vector_store %arg9[%swap3A_429, %swap3A_430], %masked_sort3A_425 {strides = array<i32>} : memref<32x16xi32, #tpu.memory_space<vmem>>, vector<16xi32>,
        %scan3A_432 = arith.constant 0 : i32
        scf.yield %scan3A_432 : i32
      }
      %scan3A_62 = arith.constant 32 : i32
      "tpu.region"() ({
        %run_scoped3A = tpu.sem_alloc : memref<!tpu.dma_semaphore, #tpu.memory_space<semaphore_mem>>
        %dma_start3A_64 = arith.constant 0 : i32
        %dma_start3A_65 = tpu.memref_slice %arg4[%add3A_37, %dma_start3A_64] : memref<16384x16xf32, #tpu.memory_space<hbm>> -> memref<32x16xf32, #tpu.memory_space<hbm>>
        %dma_start3A_66 = arith.constant 0 : i32
        %dma_start3A_67 = tpu.memref_slice %arg4[%add3A_37, %dma_start3A_66] : memref<16384x16xf32, #tpu.memory_space<hbm>> -> memref<32x16xf32, #tpu.memory_space<hbm>>
        tpu.enqueue_dma source(%arg8 : memref<32x16xf32, #tpu.memory_space<vmem>>) target(%dma_start3A_67 : memref<32x16xf32, #tpu.memory_space<hbm>>) target_semaphore(%run_scoped3A : memref<!tpu.dma_semaphore, #tpu.memory_space<semaphore_mem>>)
        %dma_wait3A_68 = arith.constant 0 : i32
        %dma_wait3A_69 = tpu.memref_slice %arg4[%add3A_37, %dma_wait3A_68] : memref<16384x16xf32, #tpu.memory_space<hbm>> -> memref<32x16xf32, #tpu.memory_space<hbm>>
        %dma_wait3A_70 = arith.constant 0 : i32
        %dma_wait3A_71 = tpu.memref_slice %arg4[%add3A_37, %dma_wait3A_70] : memref<16384x16xf32, #tpu.memory_space<hbm>> -> memref<32x16xf32, #tpu.memory_space<hbm>>
        tpu.wait_dma2 semaphore(%run_scoped3A : memref<!tpu.dma_semaphore, #tpu.memory_space<semaphore_mem>>) src(%arg8 : memref<32x16xf32, #tpu.memory_space<vmem>>) dst(%dma_wait3A_71 : memref<32x16xf32, #tpu.memory_space<hbm>>)
        tpu.yield
      }) : () -> ()
      "tpu.region"() ({
        %run_scoped3A = tpu.sem_alloc : memref<!tpu.dma_semaphore, #tpu.memory_space<semaphore_mem>>
        %dma_start3A_64 = arith.constant 0 : i32
        %dma_start3A_65 = tpu.memref_slice %arg5[%add3A_37, %dma_start3A_64] : memref<16384x16xi32, #tpu.memory_space<hbm>> -> memref<32x16xi32, #tpu.memory_space<hbm>>
        %dma_start3A_66 = arith.constant 0 : i32
        %dma_start3A_67 = tpu.memref_slice %arg5[%add3A_37, %dma_start3A_66] : memref<16384x16xi32, #tpu.memory_space<hbm>> -> memref<32x16xi32, #tpu.memory_space<hbm>>
        tpu.enqueue_dma source(%arg9 : memref<32x16xi32, #tpu.memory_space<vmem>>) target(%dma_start3A_67 : memref<32x16xi32, #tpu.memory_space<hbm>>) target_semaphore(%run_scoped3A : memref<!tpu.dma_semaphore, #tpu.memory_space<semaphore_mem>>)
        %dma_wait3A_68 = arith.constant 0 : i32
        %dma_wait3A_69 = tpu.memref_slice %arg5[%add3A_37, %dma_wait3A_68] : memref<16384x16xi32, #tpu.memory_space<hbm>> -> memref<32x16xi32, #tpu.memory_space<hbm>>
        %dma_wait3A_70 = arith.constant 0 : i32
        %dma_wait3A_71 = tpu.memref_slice %arg5[%add3A_37, %dma_wait3A_70] : memref<16384x16xi32, #tpu.memory_space<hbm>> -> memref<32x16xi32, #tpu.memory_space<hbm>>
        tpu.wait_dma2 semaphore(%run_scoped3A : memref<!tpu.dma_semaphore, #tpu.memory_space<semaphore_mem>>) src(%arg9 : memref<32x16xi32, #tpu.memory_space<vmem>>) dst(%dma_wait3A_71 : memref<32x16xi32, #tpu.memory_space<hbm>>)
        tpu.yield
      }) : () -> ()
      %scan3A_63 = arith.constant 0 : i32
      scf.yield %scan3A_63 : i32
    }
    %scan3A_23 = arith.constant 16 : i32
    return
  }
}

module attributes {stable_mosaic.version = 14 : i64} {
  func.func @_dist_cand_kernel(%arg0: i32, %arg1: memref<1x1024x256xf32, #tpu.memory_space<vmem>>, %arg2: memref<1x1024x1024xf32, #tpu.memory_space<vmem>>, %arg3: memref<1x1024x16xi32, #tpu.memory_space<vmem>>) attributes {dimension_semantics = [#tpu.dimension_semantics<arbitrary>], iteration_bounds = array<i64: 16>, scalar_prefetch = 0 : i64, scratch_operands = 0 : i64, tpu.core_type = #tpu.core_type<tc>, window_params = [{transform_indices = @transform_0, window_bounds = array<i64: 1, 1024, 256>}, {transform_indices = @transform_1, window_bounds = array<i64: 1, 1024, 1024>}, {transform_indices = @transform_2, window_bounds = array<i64: 1, 1024, 16>}]} {
    %get3A = arith.constant 0 : index
    %get3A_0 = arith.constant 0 : index
    %get3A_1 = arith.constant 0 : index
    %get3A_2 = vector.load %arg1[%get3A, %get3A_0, %get3A_1] : memref<1x1024x256xf32, #tpu.memory_space<vmem>>, vector<1x1024x256xf32>
    %get3A_3 = vector.shape_cast %get3A_2 : vector<1x1024x256xf32> to vector<1024x256xf32>
    %transpose3A = tpu.transpose %get3A_3, [1, 0] : vector<1024x256xf32> -> vector<256x1024xf32>
    %dot_general3A = arith.constant dense<0.000000e+00> : vector<1024x1024xf32>
    %dot_general3A_4 = tpu.matmul %get3A_3, %transpose3A, %dot_general3A {dimension_numbers = #tpu.dot_dimension_numbers<[1], [0], [0], [1], [0, 0, 1, 1], [], []>, transpose_lhs_hint = false} : vector<1024x256xf32>, vector<256x1024xf32>, vector<1024x1024xf32> -> vector<1024x1024xf32>
    %mul3A = arith.mulf %get3A_3, %get3A_3 : vector<1024x256xf32>
    %reduce_sum3A = arith.constant dense<0.000000e+00> : vector<1024xf32>
    %reduce_sum3A_5 = vector.multi_reduction <add>, %mul3A, %reduce_sum3A [1] : vector<1024x256xf32> to vector<1024xf32>
    %broadcast_in_dim3A = vector.shape_cast %reduce_sum3A_5 : vector<1024xf32> to vector<1024x1xf32>
    %broadcast_in_dim3A_6 = vector.shape_cast %reduce_sum3A_5 : vector<1024xf32> to vector<1x1024xf32>
    %add3A = vector.broadcast %broadcast_in_dim3A : vector<1024x1xf32> to vector<1024x1024xf32>
    %add3A_7 = vector.broadcast %broadcast_in_dim3A_6 : vector<1x1024xf32> to vector<1024x1024xf32>
    %add3A_8 = arith.addf %add3A, %add3A_7 : vector<1024x1024xf32>
    %mul3A_9 = arith.constant 2.000000e+00 : f32
    %mul3A_10 = vector.broadcast %mul3A_9 : f32 to vector<1024x1024xf32>
    %mul3A_11 = arith.mulf %mul3A_10, %dot_general3A_4 : vector<1024x1024xf32>
    %sub3A = arith.subf %add3A_8, %mul3A_11 : vector<1024x1024xf32>
    %swap3A = arith.constant 0 : index
    %swap3A_12 = arith.constant 0 : index
    %swap3A_13 = arith.constant 0 : index
    %swap3A_14 = vector.load %arg2[%swap3A, %swap3A_12, %swap3A_13] : memref<1x1024x1024xf32, #tpu.memory_space<vmem>>, vector<1x1024x1024xf32>
    %swap3A_15 = vector.shape_cast %swap3A_14 : vector<1x1024x1024xf32> to vector<1024x1024xf32>
    %swap3A_16 = vector.shape_cast %sub3A : vector<1024x1024xf32> to vector<1x1024x1024xf32>
    tpu.vector_store %arg2[%swap3A, %swap3A_12, %swap3A_13], %swap3A_16 {strides = array<i32>} : memref<1x1024x1024xf32, #tpu.memory_space<vmem>>, vector<1x1024x1024xf32>,
    %reshape3A = vector.shape_cast %sub3A : vector<1024x1024xf32> to vector<128x8x1024xf32>
    %reduce_max3A = arith.constant dense<0xFF800000> : vector<128x1024xf32>
    %reduce_max3A_17 = vector.multi_reduction <maximumf>, %reshape3A, %reduce_max3A [1] : vector<128x8x1024xf32> to vector<128x1024xf32>
    %max3A = arith.constant 0.000000e+00 : f32
    %max3A_18 = vector.broadcast %max3A : f32 to vector<128x1024xf32>
    %max3A_19 = arith.maximumf %reduce_max3A_17, %max3A_18 : vector<128x1024xf32>
    %bitcast_convert_type3A = tpu.bitcast %max3A_19 : vector<128x1024xf32> -> vector<128x1024xi32>
    %iota3A = tpu.iota {dimensions = array<i32: 0>} : vector<128x1024xi32>
    %and3A = arith.constant -128 : i32
    %and3A_20 = vector.broadcast %and3A : i32 to vector<128x1024xi32>
    %and3A_21 = arith.andi %bitcast_convert_type3A, %and3A_20 : vector<128x1024xi32>
    %sub3A_22 = arith.constant 127 : i32
    %sub3A_23 = vector.broadcast %sub3A_22 : i32 to vector<128x1024xi32>
    %sub3A_24 = arith.subi %sub3A_23, %iota3A : vector<128x1024xi32>
    %or3A = arith.ori %and3A_21, %sub3A_24 : vector<128x1024xi32>
    %bitcast_convert_type3A_25 = tpu.bitcast %or3A : vector<128x1024xi32> -> vector<128x1024xf32>
    %iota3A_26 = tpu.iota {dimensions = array<i32: 0>} : vector<64x1x1xi32>
    %mul3A_27 = arith.constant 2 : i32
    %mul3A_28 = vector.broadcast %mul3A_27 : i32 to vector<64x1x1xi32>
    %mul3A_29 = arith.muli %iota3A_26, %mul3A_28 : vector<64x1x1xi32>
    %jit3A = arith.constant 16 : i32
    %eq3A = arith.constant 0 : i32
    %eq3A_30 = arith.cmpi eq, %jit3A, %eq3A : i32
    %jit3A_31 = arith.constant 1 : i32
    %select_n3A = arith.select %eq3A_30, %jit3A_31, %jit3A : i32
    %rem3A = vector.broadcast %select_n3A : i32 to vector<64x1x1xi32>
    %rem3A_32 = arith.remsi %mul3A_29, %rem3A : vector<64x1x1xi32>
    %ne3A = arith.constant 0 : i32
    %ne3A_33 = vector.broadcast %ne3A : i32 to vector<64x1x1xi32>
    %ne3A_34 = arith.cmpi ne, %rem3A_32, %ne3A_33 : vector<64x1x1xi32>
    %lt3A = arith.constant 0 : i32
    %lt3A_35 = vector.broadcast %lt3A : i32 to vector<64x1x1xi32>
    %lt3A_36 = arith.cmpi slt, %rem3A_32, %lt3A_35 : vector<64x1x1xi32>
    %lt3A_37 = arith.constant 0 : i32
    %lt3A_38 = arith.cmpi slt, %select_n3A, %lt3A_37 : i32
    %ne3A_39 = vector.broadcast %lt3A_38 : i1 to vector<64x1x1xi1>
    %ne3A_40 = vector.broadcast %ne3A_39 : vector<64x1x1xi1> to vector<64x1x1xi1>
    %ne3A_41 = arith.xori %lt3A_36, %ne3A_40 : vector<64x1x1xi1>
    %and3A_42 = arith.andi %ne3A_41, %ne3A_34 : vector<64x1x1xi1>
    %add3A_43 = vector.broadcast %select_n3A : i32 to vector<64x1x1xi32>
    %add3A_44 = arith.addi %rem3A_32, %add3A_43 : vector<64x1x1xi32>
    %select_n3A_45 = arith.select %and3A_42, %add3A_44, %rem3A_32 : vector<64x1x1xi1>, vector<64x1x1xi32>
    %and3A_46 = arith.constant 2 : i32
    %and3A_47 = vector.broadcast %and3A_46 : i32 to vector<64x1x1xi32>
    %and3A_48 = arith.andi %select_n3A_45, %and3A_47 : vector<64x1x1xi32>
    %eq3A_49 = arith.constant 0 : i32
    %eq3A_50 = vector.broadcast %eq3A_49 : i32 to vector<64x1x1xi32>
    %eq3A_51 = arith.cmpi eq, %and3A_48, %eq3A_50 : vector<64x1x1xi32>
    %shift_right_arithmetic3A = arith.constant 4 : i32
    %shift_right_arithmetic3A_52 = vector.broadcast %shift_right_arithmetic3A : i32 to vector<64x1x1xi32>
    %shift_right_arithmetic3A_53 = arith.shrsi %mul3A_29, %shift_right_arithmetic3A_52 : vector<64x1x1xi32>
    %jit3A_54 = arith.constant 2 : i32
    %eq3A_55 = arith.constant 0 : i32
    %eq3A_56 = arith.cmpi eq, %jit3A_54, %eq3A_55 : i32
    %jit3A_57 = arith.constant 1 : i32
    %select_n3A_58 = arith.select %eq3A_56, %jit3A_57, %jit3A_54 : i32
    %rem3A_59 = vector.broadcast %select_n3A_58 : i32 to vector<64x1x1xi32>
    %rem3A_60 = arith.remsi %shift_right_arithmetic3A_53, %rem3A_59 : vector<64x1x1xi32>
    %ne3A_61 = arith.constant 0 : i32
    %ne3A_62 = vector.broadcast %ne3A_61 : i32 to vector<64x1x1xi32>
    %ne3A_63 = arith.cmpi ne, %rem3A_60, %ne3A_62 : vector<64x1x1xi32>
    %lt3A_64 = arith.constant 0 : i32
    %lt3A_65 = vector.broadcast %lt3A_64 : i32 to vector<64x1x1xi32>
    %lt3A_66 = arith.cmpi slt, %rem3A_60, %lt3A_65 : vector<64x1x1xi32>
    %lt3A_67 = arith.constant 0 : i32
    %lt3A_68 = arith.cmpi slt, %select_n3A_58, %lt3A_67 : i32
    %ne3A_69 = vector.broadcast %lt3A_68 : i1 to vector<64x1x1xi1>
    %ne3A_70 = vector.broadcast %ne3A_69 : vector<64x1x1xi1> to vector<64x1x1xi1>
    %ne3A_71 = arith.xori %lt3A_66, %ne3A_70 : vector<64x1x1xi1>
    %and3A_72 = arith.andi %ne3A_71, %ne3A_63 : vector<64x1x1xi1>
    %add3A_73 = vector.broadcast %select_n3A_58 : i32 to vector<64x1x1xi32>
    %add3A_74 = arith.addi %rem3A_60, %add3A_73 : vector<64x1x1xi32>
    %select_n3A_75 = arith.select %and3A_72, %add3A_74, %rem3A_60 : vector<64x1x1xi1>, vector<64x1x1xi32>
    %eq3A_76 = arith.constant 0 : i32
    %eq3A_77 = vector.broadcast %eq3A_76 : i32 to vector<64x1x1xi32>
    %eq3A_78 = arith.cmpi eq, %select_n3A_75, %eq3A_77 : vector<64x1x1xi32>
    %eq3A_79 = arith.xori %eq3A_51, %eq3A_78 : vector<64x1x1xi1>
    %eq3A_80 = arith.constant dense<true> : vector<64x1x1xi1>
    %eq3A_81 = arith.xori %eq3A_79, %eq3A_80 : vector<64x1x1xi1>
    %reshape3A_82 = vector.shape_cast %bitcast_convert_type3A_25 : vector<128x1024xf32> to vector<64x2x1x1024xf32>
    %slice3A = vector.extract_strided_slice %reshape3A_82 {offsets = [0, 0, 0, 0], sizes = [64, 1, 1, 1024], strides = [1, 1, 1, 1]} : vector<64x2x1x1024xf32> to vector<64x1x1x1024xf32>
    %squeeze3A = vector.shape_cast %slice3A : vector<64x1x1x1024xf32> to vector<64x1x1024xf32>
    %slice3A_83 = vector.extract_strided_slice %reshape3A_82 {offsets = [0, 1, 0, 0], sizes = [64, 1, 1, 1024], strides = [1, 1, 1, 1]} : vector<64x2x1x1024xf32> to vector<64x1x1x1024xf32>
    %squeeze3A_84 = vector.shape_cast %slice3A_83 : vector<64x1x1x1024xf32> to vector<64x1x1024xf32>
    %max3A_85 = arith.maximumf %squeeze3A, %squeeze3A_84 : vector<64x1x1024xf32>
    %min3A = arith.minimumf %squeeze3A, %squeeze3A_84 : vector<64x1x1024xf32>
    %broadcast_in_dim3A_86 = vector.shape_cast %eq3A_81 : vector<64x1x1xi1> to vector<64x1x1xi1>
    %broadcast_in_dim3A_87 = vector.broadcast %broadcast_in_dim3A_86 : vector<64x1x1xi1> to vector<64x1x1024xi1>
    %select_n3A_88 = arith.select %broadcast_in_dim3A_87, %max3A_85, %min3A : vector<64x1x1024xi1>, vector<64x1x1024xf32>
    %broadcast_in_dim3A_89 = vector.shape_cast %eq3A_81 : vector<64x1x1xi1> to vector<64x1x1xi1>
    %broadcast_in_dim3A_90 = vector.broadcast %broadcast_in_dim3A_89 : vector<64x1x1xi1> to vector<64x1x1024xi1>
    %select_n3A_91 = arith.select %broadcast_in_dim3A_90, %min3A, %max3A_85 : vector<64x1x1024xi1>, vector<64x1x1024xf32>
    %stack3A = vector.shape_cast %select_n3A_88 : vector<64x1x1024xf32> to vector<64x1x1x1024xf32>
    %stack3A_92 = vector.shape_cast %select_n3A_91 : vector<64x1x1024xf32> to vector<64x1x1x1024xf32>
    %stack3A_93 = tpu.concatenate %stack3A, %stack3A_92 in 1 : vector<64x1x1x1024xf32>, vector<64x1x1x1024xf32> -> vector<64x2x1x1024xf32>
    %reshape3A_94 = vector.shape_cast %stack3A_93 : vector<64x2x1x1024xf32> to vector<128x1024xf32>
    %iota3A_95 = tpu.iota {dimensions = array<i32: 0>} : vector<32x1x1xi32>
    %mul3A_96 = arith.constant 4 : i32
    %mul3A_97 = vector.broadcast %mul3A_96 : i32 to vector<32x1x1xi32>
    %mul3A_98 = arith.muli %iota3A_95, %mul3A_97 : vector<32x1x1xi32>
    %jit3A_99 = arith.constant 16 : i32
    %eq3A_100 = arith.constant 0 : i32
    %eq3A_101 = arith.cmpi eq, %jit3A_99, %eq3A_100 : i32
    %jit3A_102 = arith.constant 1 : i32
    %select_n3A_103 = arith.select %eq3A_101, %jit3A_102, %jit3A_99 : i32
    %rem3A_104 = vector.broadcast %select_n3A_103 : i32 to vector<32x1x1xi32>
    %rem3A_105 = arith.remsi %mul3A_98, %rem3A_104 : vector<32x1x1xi32>
    %ne3A_106 = arith.constant 0 : i32
    %ne3A_107 = vector.broadcast %ne3A_106 : i32 to vector<32x1x1xi32>
    %ne3A_108 = arith.cmpi ne, %rem3A_105, %ne3A_107 : vector<32x1x1xi32>
    %lt3A_109 = arith.constant 0 : i32
    %lt3A_110 = vector.broadcast %lt3A_109 : i32 to vector<32x1x1xi32>
    %lt3A_111 = arith.cmpi slt, %rem3A_105, %lt3A_110 : vector<32x1x1xi32>
    %lt3A_112 = arith.constant 0 : i32
    %lt3A_113 = arith.cmpi slt, %select_n3A_103, %lt3A_112 : i32
    %ne3A_114 = vector.broadcast %lt3A_113 : i1 to vector<32x1x1xi1>
    %ne3A_115 = vector.broadcast %ne3A_114 : vector<32x1x1xi1> to vector<32x1x1xi1>
    %ne3A_116 = arith.xori %lt3A_111, %ne3A_115 : vector<32x1x1xi1>
    %and3A_117 = arith.andi %ne3A_116, %ne3A_108 : vector<32x1x1xi1>
    %add3A_118 = vector.broadcast %select_n3A_103 : i32 to vector<32x1x1xi32>
    %add3A_119 = arith.addi %rem3A_105, %add3A_118 : vector<32x1x1xi32>
    %select_n3A_120 = arith.select %and3A_117, %add3A_119, %rem3A_105 : vector<32x1x1xi1>, vector<32x1x1xi32>
    %and3A_121 = arith.constant 4 : i32
    %and3A_122 = vector.broadcast %and3A_121 : i32 to vector<32x1x1xi32>
    %and3A_123 = arith.andi %select_n3A_120, %and3A_122 : vector<32x1x1xi32>
    %eq3A_124 = arith.constant 0 : i32
    %eq3A_125 = vector.broadcast %eq3A_124 : i32 to vector<32x1x1xi32>
    %eq3A_126 = arith.cmpi eq, %and3A_123, %eq3A_125 : vector<32x1x1xi32>
    %shift_right_arithmetic3A_127 = arith.constant 4 : i32
    %shift_right_arithmetic3A_128 = vector.broadcast %shift_right_arithmetic3A_127 : i32 to vector<32x1x1xi32>
    %shift_right_arithmetic3A_129 = arith.shrsi %mul3A_98, %shift_right_arithmetic3A_128 : vector<32x1x1xi32>
    %jit3A_130 = arith.constant 2 : i32
    %eq3A_131 = arith.constant 0 : i32
    %eq3A_132 = arith.cmpi eq, %jit3A_130, %eq3A_131 : i32
    %jit3A_133 = arith.constant 1 : i32
    %select_n3A_134 = arith.select %eq3A_132, %jit3A_133, %jit3A_130 : i32
    %rem3A_135 = vector.broadcast %select_n3A_134 : i32 to vector<32x1x1xi32>
    %rem3A_136 = arith.remsi %shift_right_arithmetic3A_129, %rem3A_135 : vector<32x1x1xi32>
    %ne3A_137 = arith.constant 0 : i32
    %ne3A_138 = vector.broadcast %ne3A_137 : i32 to vector<32x1x1xi32>
    %ne3A_139 = arith.cmpi ne, %rem3A_136, %ne3A_138 : vector<32x1x1xi32>
    %lt3A_140 = arith.constant 0 : i32
    %lt3A_141 = vector.broadcast %lt3A_140 : i32 to vector<32x1x1xi32>
    %lt3A_142 = arith.cmpi slt, %rem3A_136, %lt3A_141 : vector<32x1x1xi32>
    %lt3A_143 = arith.constant 0 : i32
    %lt3A_144 = arith.cmpi slt, %select_n3A_134, %lt3A_143 : i32
    %ne3A_145 = vector.broadcast %lt3A_144 : i1 to vector<32x1x1xi1>
    %ne3A_146 = vector.broadcast %ne3A_145 : vector<32x1x1xi1> to vector<32x1x1xi1>
    %ne3A_147 = arith.xori %lt3A_142, %ne3A_146 : vector<32x1x1xi1>
    %and3A_148 = arith.andi %ne3A_147, %ne3A_139 : vector<32x1x1xi1>
    %add3A_149 = vector.broadcast %select_n3A_134 : i32 to vector<32x1x1xi32>
    %add3A_150 = arith.addi %rem3A_136, %add3A_149 : vector<32x1x1xi32>
    %select_n3A_151 = arith.select %and3A_148, %add3A_150, %rem3A_136 : vector<32x1x1xi1>, vector<32x1x1xi32>
    %eq3A_152 = arith.constant 0 : i32
    %eq3A_153 = vector.broadcast %eq3A_152 : i32 to vector<32x1x1xi32>
    %eq3A_154 = arith.cmpi eq, %select_n3A_151, %eq3A_153 : vector<32x1x1xi32>
    %eq3A_155 = arith.xori %eq3A_126, %eq3A_154 : vector<32x1x1xi1>
    %eq3A_156 = arith.constant dense<true> : vector<32x1x1xi1>
    %eq3A_157 = arith.xori %eq3A_155, %eq3A_156 : vector<32x1x1xi1>
    %reshape3A_158 = vector.shape_cast %reshape3A_94 : vector<128x1024xf32> to vector<32x2x2x1024xf32>
    %slice3A_159 = vector.extract_strided_slice %reshape3A_158 {offsets = [0, 0, 0, 0], sizes = [32, 1, 2, 1024], strides = [1, 1, 1, 1]} : vector<32x2x2x1024xf32> to vector<32x1x2x1024xf32>
    %squeeze3A_160 = vector.shape_cast %slice3A_159 : vector<32x1x2x1024xf32> to vector<32x2x1024xf32>
    %slice3A_161 = vector.extract_strided_slice %reshape3A_158 {offsets = [0, 1, 0, 0], sizes = [32, 1, 2, 1024], strides = [1, 1, 1, 1]} : vector<32x2x2x1024xf32> to vector<32x1x2x1024xf32>
    %squeeze3A_162 = vector.shape_cast %slice3A_161 : vector<32x1x2x1024xf32> to vector<32x2x1024xf32>
    %max3A_163 = arith.maximumf %squeeze3A_160, %squeeze3A_162 : vector<32x2x1024xf32>
    %min3A_164 = arith.minimumf %squeeze3A_160, %squeeze3A_162 : vector<32x2x1024xf32>
    %broadcast_in_dim3A_165 = vector.shape_cast %eq3A_157 : vector<32x1x1xi1> to vector<32x1x1xi1>
    %broadcast_in_dim3A_166 = vector.broadcast %broadcast_in_dim3A_165 : vector<32x1x1xi1> to vector<32x2x1024xi1>
    %select_n3A_167 = arith.select %broadcast_in_dim3A_166, %max3A_163, %min3A_164 : vector<32x2x1024xi1>, vector<32x2x1024xf32>
    %broadcast_in_dim3A_168 = vector.shape_cast %eq3A_157 : vector<32x1x1xi1> to vector<32x1x1xi1>
    %broadcast_in_dim3A_169 = vector.broadcast %broadcast_in_dim3A_168 : vector<32x1x1xi1> to vector<32x2x1024xi1>
    %select_n3A_170 = arith.select %broadcast_in_dim3A_169, %min3A_164, %max3A_163 : vector<32x2x1024xi1>, vector<32x2x1024xf32>
    %stack3A_171 = vector.shape_cast %select_n3A_167 : vector<32x2x1024xf32> to vector<32x1x2x1024xf32>
    %stack3A_172 = vector.shape_cast %select_n3A_170 : vector<32x2x1024xf32> to vector<32x1x2x1024xf32>
    %stack3A_173 = tpu.concatenate %stack3A_171, %stack3A_172 in 1 : vector<32x1x2x1024xf32>, vector<32x1x2x1024xf32> -> vector<32x2x2x1024xf32>
    %reshape3A_174 = vector.shape_cast %stack3A_173 : vector<32x2x2x1024xf32> to vector<128x1024xf32>
    %iota3A_175 = tpu.iota {dimensions = array<i32: 0>} : vector<64x1x1xi32>
    %mul3A_176 = arith.constant 2 : i32
    %mul3A_177 = vector.broadcast %mul3A_176 : i32 to vector<64x1x1xi32>
    %mul3A_178 = arith.muli %iota3A_175, %mul3A_177 : vector<64x1x1xi32>
    %jit3A_179 = arith.constant 16 : i32
    %eq3A_180 = arith.constant 0 : i32
    %eq3A_181 = arith.cmpi eq, %jit3A_179, %eq3A_180 : i32
    %jit3A_182 = arith.constant 1 : i32
    %select_n3A_183 = arith.select %eq3A_181, %jit3A_182, %jit3A_179 : i32
    %rem3A_184 = vector.broadcast %select_n3A_183 : i32 to vector<64x1x1xi32>
    %rem3A_185 = arith.remsi %mul3A_178, %rem3A_184 : vector<64x1x1xi32>
    %ne3A_186 = arith.constant 0 : i32
    %ne3A_187 = vector.broadcast %ne3A_186 : i32 to vector<64x1x1xi32>
    %ne3A_188 = arith.cmpi ne, %rem3A_185, %ne3A_187 : vector<64x1x1xi32>
    %lt3A_189 = arith.constant 0 : i32
    %lt3A_190 = vector.broadcast %lt3A_189 : i32 to vector<64x1x1xi32>
    %lt3A_191 = arith.cmpi slt, %rem3A_185, %lt3A_190 : vector<64x1x1xi32>
    %lt3A_192 = arith.constant 0 : i32
    %lt3A_193 = arith.cmpi slt, %select_n3A_183, %lt3A_192 : i32
    %ne3A_194 = vector.broadcast %lt3A_193 : i1 to vector<64x1x1xi1>
    %ne3A_195 = vector.broadcast %ne3A_194 : vector<64x1x1xi1> to vector<64x1x1xi1>
    %ne3A_196 = arith.xori %lt3A_191, %ne3A_195 : vector<64x1x1xi1>
    %and3A_197 = arith.andi %ne3A_196, %ne3A_188 : vector<64x1x1xi1>
    %add3A_198 = vector.broadcast %select_n3A_183 : i32 to vector<64x1x1xi32>
    %add3A_199 = arith.addi %rem3A_185, %add3A_198 : vector<64x1x1xi32>
    %select_n3A_200 = arith.select %and3A_197, %add3A_199, %rem3A_185 : vector<64x1x1xi1>, vector<64x1x1xi32>
    %and3A_201 = arith.constant 4 : i32
    %and3A_202 = vector.broadcast %and3A_201 : i32 to vector<64x1x1xi32>
    %and3A_203 = arith.andi %select_n3A_200, %and3A_202 : vector<64x1x1xi32>
    %eq3A_204 = arith.constant 0 : i32
    %eq3A_205 = vector.broadcast %eq3A_204 : i32 to vector<64x1x1xi32>
    %eq3A_206 = arith.cmpi eq, %and3A_203, %eq3A_205 : vector<64x1x1xi32>
    %shift_right_arithmetic3A_207 = arith.constant 4 : i32
    %shift_right_arithmetic3A_208 = vector.broadcast %shift_right_arithmetic3A_207 : i32 to vector<64x1x1xi32>
    %shift_right_arithmetic3A_209 = arith.shrsi %mul3A_178, %shift_right_arithmetic3A_208 : vector<64x1x1xi32>
    %jit3A_210 = arith.constant 2 : i32
    %eq3A_211 = arith.constant 0 : i32
    %eq3A_212 = arith.cmpi eq, %jit3A_210, %eq3A_211 : i32
    %jit3A_213 = arith.constant 1 : i32
    %select_n3A_214 = arith.select %eq3A_212, %jit3A_213, %jit3A_210 : i32
    %rem3A_215 = vector.broadcast %select_n3A_214 : i32 to vector<64x1x1xi32>
    %rem3A_216 = arith.remsi %shift_right_arithmetic3A_209, %rem3A_215 : vector<64x1x1xi32>
    %ne3A_217 = arith.constant 0 : i32
    %ne3A_218 = vector.broadcast %ne3A_217 : i32 to vector<64x1x1xi32>
    %ne3A_219 = arith.cmpi ne, %rem3A_216, %ne3A_218 : vector<64x1x1xi32>
    %lt3A_220 = arith.constant 0 : i32
    %lt3A_221 = vector.broadcast %lt3A_220 : i32 to vector<64x1x1xi32>
    %lt3A_222 = arith.cmpi slt, %rem3A_216, %lt3A_221 : vector<64x1x1xi32>
    %lt3A_223 = arith.constant 0 : i32
    %lt3A_224 = arith.cmpi slt, %select_n3A_214, %lt3A_223 : i32
    %ne3A_225 = vector.broadcast %lt3A_224 : i1 to vector<64x1x1xi1>
    %ne3A_226 = vector.broadcast %ne3A_225 : vector<64x1x1xi1> to vector<64x1x1xi1>
    %ne3A_227 = arith.xori %lt3A_222, %ne3A_226 : vector<64x1x1xi1>
    %and3A_228 = arith.andi %ne3A_227, %ne3A_219 : vector<64x1x1xi1>
    %add3A_229 = vector.broadcast %select_n3A_214 : i32 to vector<64x1x1xi32>
    %add3A_230 = arith.addi %rem3A_216, %add3A_229 : vector<64x1x1xi32>
    %select_n3A_231 = arith.select %and3A_228, %add3A_230, %rem3A_216 : vector<64x1x1xi1>, vector<64x1x1xi32>
    %eq3A_232 = arith.constant 0 : i32
    %eq3A_233 = vector.broadcast %eq3A_232 : i32 to vector<64x1x1xi32>
    %eq3A_234 = arith.cmpi eq, %select_n3A_231, %eq3A_233 : vector<64x1x1xi32>
    %eq3A_235 = arith.xori %eq3A_206, %eq3A_234 : vector<64x1x1xi1>
    %eq3A_236 = arith.constant dense<true> : vector<64x1x1xi1>
    %eq3A_237 = arith.xori %eq3A_235, %eq3A_236 : vector<64x1x1xi1>
    %reshape3A_238 = vector.shape_cast %reshape3A_174 : vector<128x1024xf32> to vector<64x2x1x1024xf32>
    %slice3A_239 = vector.extract_strided_slice %reshape3A_238 {offsets = [0, 0, 0, 0], sizes = [64, 1, 1, 1024], strides = [1, 1, 1, 1]} : vector<64x2x1x1024xf32> to vector<64x1x1x1024xf32>
    %squeeze3A_240 = vector.shape_cast %slice3A_239 : vector<64x1x1x1024xf32> to vector<64x1x1024xf32>
    %slice3A_241 = vector.extract_strided_slice %reshape3A_238 {offsets = [0, 1, 0, 0], sizes = [64, 1, 1, 1024], strides = [1, 1, 1, 1]} : vector<64x2x1x1024xf32> to vector<64x1x1x1024xf32>
    %squeeze3A_242 = vector.shape_cast %slice3A_241 : vector<64x1x1x1024xf32> to vector<64x1x1024xf32>
    %max3A_243 = arith.maximumf %squeeze3A_240, %squeeze3A_242 : vector<64x1x1024xf32>
    %min3A_244 = arith.minimumf %squeeze3A_240, %squeeze3A_242 : vector<64x1x1024xf32>
    %broadcast_in_dim3A_245 = vector.shape_cast %eq3A_237 : vector<64x1x1xi1> to vector<64x1x1xi1>
    %broadcast_in_dim3A_246 = vector.broadcast %broadcast_in_dim3A_245 : vector<64x1x1xi1> to vector<64x1x1024xi1>
    %select_n3A_247 = arith.select %broadcast_in_dim3A_246, %max3A_243, %min3A_244 : vector<64x1x1024xi1>, vector<64x1x1024xf32>
    %broadcast_in_dim3A_248 = vector.shape_cast %eq3A_237 : vector<64x1x1xi1> to vector<64x1x1xi1>
    %broadcast_in_dim3A_249 = vector.broadcast %broadcast_in_dim3A_248 : vector<64x1x1xi1> to vector<64x1x1024xi1>
    %select_n3A_250 = arith.select %broadcast_in_dim3A_249, %min3A_244, %max3A_243 : vector<64x1x1024xi1>, vector<64x1x1024xf32>
    %stack3A_251 = vector.shape_cast %select_n3A_247 : vector<64x1x1024xf32> to vector<64x1x1x1024xf32>
    %stack3A_252 = vector.shape_cast %select_n3A_250 : vector<64x1x1024xf32> to vector<64x1x1x1024xf32>
    %stack3A_253 = tpu.concatenate %stack3A_251, %stack3A_252 in 1 : vector<64x1x1x1024xf32>, vector<64x1x1x1024xf32> -> vector<64x2x1x1024xf32>
    %reshape3A_254 = vector.shape_cast %stack3A_253 : vector<64x2x1x1024xf32> to vector<128x1024xf32>
    %iota3A_255 = tpu.iota {dimensions = array<i32: 0>} : vector<16x1x1xi32>
    %mul3A_256 = arith.constant 8 : i32
    %mul3A_257 = vector.broadcast %mul3A_256 : i32 to vector<16x1x1xi32>
    %mul3A_258 = arith.muli %iota3A_255, %mul3A_257 : vector<16x1x1xi32>
    %jit3A_259 = arith.constant 16 : i32
    %eq3A_260 = arith.constant 0 : i32
    %eq3A_261 = arith.cmpi eq, %jit3A_259, %eq3A_260 : i32
    %jit3A_262 = arith.constant 1 : i32
    %select_n3A_263 = arith.select %eq3A_261, %jit3A_262, %jit3A_259 : i32
    %rem3A_264 = vector.broadcast %select_n3A_263 : i32 to vector<16x1x1xi32>
    %rem3A_265 = arith.remsi %mul3A_258, %rem3A_264 : vector<16x1x1xi32>
    %ne3A_266 = arith.constant 0 : i32
    %ne3A_267 = vector.broadcast %ne3A_266 : i32 to vector<16x1x1xi32>
    %ne3A_268 = arith.cmpi ne, %rem3A_265, %ne3A_267 : vector<16x1x1xi32>
    %lt3A_269 = arith.constant 0 : i32
    %lt3A_270 = vector.broadcast %lt3A_269 : i32 to vector<16x1x1xi32>
    %lt3A_271 = arith.cmpi slt, %rem3A_265, %lt3A_270 : vector<16x1x1xi32>
    %lt3A_272 = arith.constant 0 : i32
    %lt3A_273 = arith.cmpi slt, %select_n3A_263, %lt3A_272 : i32
    %ne3A_274 = vector.broadcast %lt3A_273 : i1 to vector<16x1x1xi1>
    %ne3A_275 = vector.broadcast %ne3A_274 : vector<16x1x1xi1> to vector<16x1x1xi1>
    %ne3A_276 = arith.xori %lt3A_271, %ne3A_275 : vector<16x1x1xi1>
    %and3A_277 = arith.andi %ne3A_276, %ne3A_268 : vector<16x1x1xi1>
    %add3A_278 = vector.broadcast %select_n3A_263 : i32 to vector<16x1x1xi32>
    %add3A_279 = arith.addi %rem3A_265, %add3A_278 : vector<16x1x1xi32>
    %select_n3A_280 = arith.select %and3A_277, %add3A_279, %rem3A_265 : vector<16x1x1xi1>, vector<16x1x1xi32>
    %and3A_281 = arith.constant 8 : i32
    %and3A_282 = vector.broadcast %and3A_281 : i32 to vector<16x1x1xi32>
    %and3A_283 = arith.andi %select_n3A_280, %and3A_282 : vector<16x1x1xi32>
    %eq3A_284 = arith.constant 0 : i32
    %eq3A_285 = vector.broadcast %eq3A_284 : i32 to vector<16x1x1xi32>
    %eq3A_286 = arith.cmpi eq, %and3A_283, %eq3A_285 : vector<16x1x1xi32>
    %shift_right_arithmetic3A_287 = arith.constant 4 : i32
    %shift_right_arithmetic3A_288 = vector.broadcast %shift_right_arithmetic3A_287 : i32 to vector<16x1x1xi32>
    %shift_right_arithmetic3A_289 = arith.shrsi %mul3A_258, %shift_right_arithmetic3A_288 : vector<16x1x1xi32>
    %jit3A_290 = arith.constant 2 : i32
    %eq3A_291 = arith.constant 0 : i32
    %eq3A_292 = arith.cmpi eq, %jit3A_290, %eq3A_291 : i32
    %jit3A_293 = arith.constant 1 : i32
    %select_n3A_294 = arith.select %eq3A_292, %jit3A_293, %jit3A_290 : i32
    %rem3A_295 = vector.broadcast %select_n3A_294 : i32 to vector<16x1x1xi32>
    %rem3A_296 = arith.remsi %shift_right_arithmetic3A_289, %rem3A_295 : vector<16x1x1xi32>
    %ne3A_297 = arith.constant 0 : i32
    %ne3A_298 = vector.broadcast %ne3A_297 : i32 to vector<16x1x1xi32>
    %ne3A_299 = arith.cmpi ne, %rem3A_296, %ne3A_298 : vector<16x1x1xi32>
    %lt3A_300 = arith.constant 0 : i32
    %lt3A_301 = vector.broadcast %lt3A_300 : i32 to vector<16x1x1xi32>
    %lt3A_302 = arith.cmpi slt, %rem3A_296, %lt3A_301 : vector<16x1x1xi32>
    %lt3A_303 = arith.constant 0 : i32
    %lt3A_304 = arith.cmpi slt, %select_n3A_294, %lt3A_303 : i32
    %ne3A_305 = vector.broadcast %lt3A_304 : i1 to vector<16x1x1xi1>
    %ne3A_306 = vector.broadcast %ne3A_305 : vector<16x1x1xi1> to vector<16x1x1xi1>
    %ne3A_307 = arith.xori %lt3A_302, %ne3A_306 : vector<16x1x1xi1>
    %and3A_308 = arith.andi %ne3A_307, %ne3A_299 : vector<16x1x1xi1>
    %add3A_309 = vector.broadcast %select_n3A_294 : i32 to vector<16x1x1xi32>
    %add3A_310 = arith.addi %rem3A_296, %add3A_309 : vector<16x1x1xi32>
    %select_n3A_311 = arith.select %and3A_308, %add3A_310, %rem3A_296 : vector<16x1x1xi1>, vector<16x1x1xi32>
    %eq3A_312 = arith.constant 0 : i32
    %eq3A_313 = vector.broadcast %eq3A_312 : i32 to vector<16x1x1xi32>
    %eq3A_314 = arith.cmpi eq, %select_n3A_311, %eq3A_313 : vector<16x1x1xi32>
    %eq3A_315 = arith.xori %eq3A_286, %eq3A_314 : vector<16x1x1xi1>
    %eq3A_316 = arith.constant dense<true> : vector<16x1x1xi1>
    %eq3A_317 = arith.xori %eq3A_315, %eq3A_316 : vector<16x1x1xi1>
    %reshape3A_318 = vector.shape_cast %reshape3A_254 : vector<128x1024xf32> to vector<16x2x4x1024xf32>
    %slice3A_319 = vector.extract_strided_slice %reshape3A_318 {offsets = [0, 0, 0, 0], sizes = [16, 1, 4, 1024], strides = [1, 1, 1, 1]} : vector<16x2x4x1024xf32> to vector<16x1x4x1024xf32>
    %squeeze3A_320 = vector.shape_cast %slice3A_319 : vector<16x1x4x1024xf32> to vector<16x4x1024xf32>
    %slice3A_321 = vector.extract_strided_slice %reshape3A_318 {offsets = [0, 1, 0, 0], sizes = [16, 1, 4, 1024], strides = [1, 1, 1, 1]} : vector<16x2x4x1024xf32> to vector<16x1x4x1024xf32>
    %squeeze3A_322 = vector.shape_cast %slice3A_321 : vector<16x1x4x1024xf32> to vector<16x4x1024xf32>
    %max3A_323 = arith.maximumf %squeeze3A_320, %squeeze3A_322 : vector<16x4x1024xf32>
    %min3A_324 = arith.minimumf %squeeze3A_320, %squeeze3A_322 : vector<16x4x1024xf32>
    %broadcast_in_dim3A_325 = vector.shape_cast %eq3A_317 : vector<16x1x1xi1> to vector<16x1x1xi1>
    %broadcast_in_dim3A_326 = vector.broadcast %broadcast_in_dim3A_325 : vector<16x1x1xi1> to vector<16x4x1024xi1>
    %select_n3A_327 = arith.select %broadcast_in_dim3A_326, %max3A_323, %min3A_324 : vector<16x4x1024xi1>, vector<16x4x1024xf32>
    %broadcast_in_dim3A_328 = vector.shape_cast %eq3A_317 : vector<16x1x1xi1> to vector<16x1x1xi1>
    %broadcast_in_dim3A_329 = vector.broadcast %broadcast_in_dim3A_328 : vector<16x1x1xi1> to vector<16x4x1024xi1>
    %select_n3A_330 = arith.select %broadcast_in_dim3A_329, %min3A_324, %max3A_323 : vector<16x4x1024xi1>, vector<16x4x1024xf32>
    %stack3A_331 = vector.shape_cast %select_n3A_327 : vector<16x4x1024xf32> to vector<16x1x4x1024xf32>
    %stack3A_332 = vector.shape_cast %select_n3A_330 : vector<16x4x1024xf32> to vector<16x1x4x1024xf32>
    %stack3A_333 = tpu.concatenate %stack3A_331, %stack3A_332 in 1 : vector<16x1x4x1024xf32>, vector<16x1x4x1024xf32> -> vector<16x2x4x1024xf32>
    %reshape3A_334 = vector.shape_cast %stack3A_333 : vector<16x2x4x1024xf32> to vector<128x1024xf32>
    %iota3A_335 = tpu.iota {dimensions = array<i32: 0>} : vector<32x1x1xi32>
    %mul3A_336 = arith.constant 4 : i32
    %mul3A_337 = vector.broadcast %mul3A_336 : i32 to vector<32x1x1xi32>
    %mul3A_338 = arith.muli %iota3A_335, %mul3A_337 : vector<32x1x1xi32>
    %jit3A_339 = arith.constant 16 : i32
    %eq3A_340 = arith.constant 0 : i32
    %eq3A_341 = arith.cmpi eq, %jit3A_339, %eq3A_340 : i32
    %jit3A_342 = arith.constant 1 : i32
    %select_n3A_343 = arith.select %eq3A_341, %jit3A_342, %jit3A_339 : i32
    %rem3A_344 = vector.broadcast %select_n3A_343 : i32 to vector<32x1x1xi32>
    %rem3A_345 = arith.remsi %mul3A_338, %rem3A_344 : vector<32x1x1xi32>
    %ne3A_346 = arith.constant 0 : i32
    %ne3A_347 = vector.broadcast %ne3A_346 : i32 to vector<32x1x1xi32>
    %ne3A_348 = arith.cmpi ne, %rem3A_345, %ne3A_347 : vector<32x1x1xi32>
    %lt3A_349 = arith.constant 0 : i32
    %lt3A_350 = vector.broadcast %lt3A_349 : i32 to vector<32x1x1xi32>
    %lt3A_351 = arith.cmpi slt, %rem3A_345, %lt3A_350 : vector<32x1x1xi32>
    %lt3A_352 = arith.constant 0 : i32
    %lt3A_353 = arith.cmpi slt, %select_n3A_343, %lt3A_352 : i32
    %ne3A_354 = vector.broadcast %lt3A_353 : i1 to vector<32x1x1xi1>
    %ne3A_355 = vector.broadcast %ne3A_354 : vector<32x1x1xi1> to vector<32x1x1xi1>
    %ne3A_356 = arith.xori %lt3A_351, %ne3A_355 : vector<32x1x1xi1>
    %and3A_357 = arith.andi %ne3A_356, %ne3A_348 : vector<32x1x1xi1>
    %add3A_358 = vector.broadcast %select_n3A_343 : i32 to vector<32x1x1xi32>
    %add3A_359 = arith.addi %rem3A_345, %add3A_358 : vector<32x1x1xi32>
    %select_n3A_360 = arith.select %and3A_357, %add3A_359, %rem3A_345 : vector<32x1x1xi1>, vector<32x1x1xi32>
    %and3A_361 = arith.constant 8 : i32
    %and3A_362 = vector.broadcast %and3A_361 : i32 to vector<32x1x1xi32>
    %and3A_363 = arith.andi %select_n3A_360, %and3A_362 : vector<32x1x1xi32>
    %eq3A_364 = arith.constant 0 : i32
    %eq3A_365 = vector.broadcast %eq3A_364 : i32 to vector<32x1x1xi32>
    %eq3A_366 = arith.cmpi eq, %and3A_363, %eq3A_365 : vector<32x1x1xi32>
    %shift_right_arithmetic3A_367 = arith.constant 4 : i32
    %shift_right_arithmetic3A_368 = vector.broadcast %shift_right_arithmetic3A_367 : i32 to vector<32x1x1xi32>
    %shift_right_arithmetic3A_369 = arith.shrsi %mul3A_338, %shift_right_arithmetic3A_368 : vector<32x1x1xi32>
    %jit3A_370 = arith.constant 2 : i32
    %eq3A_371 = arith.constant 0 : i32
    %eq3A_372 = arith.cmpi eq, %jit3A_370, %eq3A_371 : i32
    %jit3A_373 = arith.constant 1 : i32
    %select_n3A_374 = arith.select %eq3A_372, %jit3A_373, %jit3A_370 : i32
    %rem3A_375 = vector.broadcast %select_n3A_374 : i32 to vector<32x1x1xi32>
    %rem3A_376 = arith.remsi %shift_right_arithmetic3A_369, %rem3A_375 : vector<32x1x1xi32>
    %ne3A_377 = arith.constant 0 : i32
    %ne3A_378 = vector.broadcast %ne3A_377 : i32 to vector<32x1x1xi32>
    %ne3A_379 = arith.cmpi ne, %rem3A_376, %ne3A_378 : vector<32x1x1xi32>
    %lt3A_380 = arith.constant 0 : i32
    %lt3A_381 = vector.broadcast %lt3A_380 : i32 to vector<32x1x1xi32>
    %lt3A_382 = arith.cmpi slt, %rem3A_376, %lt3A_381 : vector<32x1x1xi32>
    %lt3A_383 = arith.constant 0 : i32
    %lt3A_384 = arith.cmpi slt, %select_n3A_374, %lt3A_383 : i32
    %ne3A_385 = vector.broadcast %lt3A_384 : i1 to vector<32x1x1xi1>
    %ne3A_386 = vector.broadcast %ne3A_385 : vector<32x1x1xi1> to vector<32x1x1xi1>
    %ne3A_387 = arith.xori %lt3A_382, %ne3A_386 : vector<32x1x1xi1>
    %and3A_388 = arith.andi %ne3A_387, %ne3A_379 : vector<32x1x1xi1>
    %add3A_389 = vector.broadcast %select_n3A_374 : i32 to vector<32x1x1xi32>
    %add3A_390 = arith.addi %rem3A_376, %add3A_389 : vector<32x1x1xi32>
    %select_n3A_391 = arith.select %and3A_388, %add3A_390, %rem3A_376 : vector<32x1x1xi1>, vector<32x1x1xi32>
    %eq3A_392 = arith.constant 0 : i32
    %eq3A_393 = vector.broadcast %eq3A_392 : i32 to vector<32x1x1xi32>
    %eq3A_394 = arith.cmpi eq, %select_n3A_391, %eq3A_393 : vector<32x1x1xi32>
    %eq3A_395 = arith.xori %eq3A_366, %eq3A_394 : vector<32x1x1xi1>
    %eq3A_396 = arith.constant dense<true> : vector<32x1x1xi1>
    %eq3A_397 = arith.xori %eq3A_395, %eq3A_396 : vector<32x1x1xi1>
    %reshape3A_398 = vector.shape_cast %reshape3A_334 : vector<128x1024xf32> to vector<32x2x2x1024xf32>
    %slice3A_399 = vector.extract_strided_slice %reshape3A_398 {offsets = [0, 0, 0, 0], sizes = [32, 1, 2, 1024], strides = [1, 1, 1, 1]} : vector<32x2x2x1024xf32> to vector<32x1x2x1024xf32>
    %squeeze3A_400 = vector.shape_cast %slice3A_399 : vector<32x1x2x1024xf32> to vector<32x2x1024xf32>
    %slice3A_401 = vector.extract_strided_slice %reshape3A_398 {offsets = [0, 1, 0, 0], sizes = [32, 1, 2, 1024], strides = [1, 1, 1, 1]} : vector<32x2x2x1024xf32> to vector<32x1x2x1024xf32>
    %squeeze3A_402 = vector.shape_cast %slice3A_401 : vector<32x1x2x1024xf32> to vector<32x2x1024xf32>
    %max3A_403 = arith.maximumf %squeeze3A_400, %squeeze3A_402 : vector<32x2x1024xf32>
    %min3A_404 = arith.minimumf %squeeze3A_400, %squeeze3A_402 : vector<32x2x1024xf32>
    %broadcast_in_dim3A_405 = vector.shape_cast %eq3A_397 : vector<32x1x1xi1> to vector<32x1x1xi1>
    %broadcast_in_dim3A_406 = vector.broadcast %broadcast_in_dim3A_405 : vector<32x1x1xi1> to vector<32x2x1024xi1>
    %select_n3A_407 = arith.select %broadcast_in_dim3A_406, %max3A_403, %min3A_404 : vector<32x2x1024xi1>, vector<32x2x1024xf32>
    %broadcast_in_dim3A_408 = vector.shape_cast %eq3A_397 : vector<32x1x1xi1> to vector<32x1x1xi1>
    %broadcast_in_dim3A_409 = vector.broadcast %broadcast_in_dim3A_408 : vector<32x1x1xi1> to vector<32x2x1024xi1>
    %select_n3A_410 = arith.select %broadcast_in_dim3A_409, %min3A_404, %max3A_403 : vector<32x2x1024xi1>, vector<32x2x1024xf32>
    %stack3A_411 = vector.shape_cast %select_n3A_407 : vector<32x2x1024xf32> to vector<32x1x2x1024xf32>
    %stack3A_412 = vector.shape_cast %select_n3A_410 : vector<32x2x1024xf32> to vector<32x1x2x1024xf32>
    %stack3A_413 = tpu.concatenate %stack3A_411, %stack3A_412 in 1 : vector<32x1x2x1024xf32>, vector<32x1x2x1024xf32> -> vector<32x2x2x1024xf32>
    %reshape3A_414 = vector.shape_cast %stack3A_413 : vector<32x2x2x1024xf32> to vector<128x1024xf32>
    %iota3A_415 = tpu.iota {dimensions = array<i32: 0>} : vector<64x1x1xi32>
    %mul3A_416 = arith.constant 2 : i32
    %mul3A_417 = vector.broadcast %mul3A_416 : i32 to vector<64x1x1xi32>
    %mul3A_418 = arith.muli %iota3A_415, %mul3A_417 : vector<64x1x1xi32>
    %jit3A_419 = arith.constant 16 : i32
    %eq3A_420 = arith.constant 0 : i32
    %eq3A_421 = arith.cmpi eq, %jit3A_419, %eq3A_420 : i32
    %jit3A_422 = arith.constant 1 : i32
    %select_n3A_423 = arith.select %eq3A_421, %jit3A_422, %jit3A_419 : i32
    %rem3A_424 = vector.broadcast %select_n3A_423 : i32 to vector<64x1x1xi32>
    %rem3A_425 = arith.remsi %mul3A_418, %rem3A_424 : vector<64x1x1xi32>
    %ne3A_426 = arith.constant 0 : i32
    %ne3A_427 = vector.broadcast %ne3A_426 : i32 to vector<64x1x1xi32>
    %ne3A_428 = arith.cmpi ne, %rem3A_425, %ne3A_427 : vector<64x1x1xi32>
    %lt3A_429 = arith.constant 0 : i32
    %lt3A_430 = vector.broadcast %lt3A_429 : i32 to vector<64x1x1xi32>
    %lt3A_431 = arith.cmpi slt, %rem3A_425, %lt3A_430 : vector<64x1x1xi32>
    %lt3A_432 = arith.constant 0 : i32
    %lt3A_433 = arith.cmpi slt, %select_n3A_423, %lt3A_432 : i32
    %ne3A_434 = vector.broadcast %lt3A_433 : i1 to vector<64x1x1xi1>
    %ne3A_435 = vector.broadcast %ne3A_434 : vector<64x1x1xi1> to vector<64x1x1xi1>
    %ne3A_436 = arith.xori %lt3A_431, %ne3A_435 : vector<64x1x1xi1>
    %and3A_437 = arith.andi %ne3A_436, %ne3A_428 : vector<64x1x1xi1>
    %add3A_438 = vector.broadcast %select_n3A_423 : i32 to vector<64x1x1xi32>
    %add3A_439 = arith.addi %rem3A_425, %add3A_438 : vector<64x1x1xi32>
    %select_n3A_440 = arith.select %and3A_437, %add3A_439, %rem3A_425 : vector<64x1x1xi1>, vector<64x1x1xi32>
    %and3A_441 = arith.constant 8 : i32
    %and3A_442 = vector.broadcast %and3A_441 : i32 to vector<64x1x1xi32>
    %and3A_443 = arith.andi %select_n3A_440, %and3A_442 : vector<64x1x1xi32>
    %eq3A_444 = arith.constant 0 : i32
    %eq3A_445 = vector.broadcast %eq3A_444 : i32 to vector<64x1x1xi32>
    %eq3A_446 = arith.cmpi eq, %and3A_443, %eq3A_445 : vector<64x1x1xi32>
    %shift_right_arithmetic3A_447 = arith.constant 4 : i32
    %shift_right_arithmetic3A_448 = vector.broadcast %shift_right_arithmetic3A_447 : i32 to vector<64x1x1xi32>
    %shift_right_arithmetic3A_449 = arith.shrsi %mul3A_418, %shift_right_arithmetic3A_448 : vector<64x1x1xi32>
    %jit3A_450 = arith.constant 2 : i32
    %eq3A_451 = arith.constant 0 : i32
    %eq3A_452 = arith.cmpi eq, %jit3A_450, %eq3A_451 : i32
    %jit3A_453 = arith.constant 1 : i32
    %select_n3A_454 = arith.select %eq3A_452, %jit3A_453, %jit3A_450 : i32
    %rem3A_455 = vector.broadcast %select_n3A_454 : i32 to vector<64x1x1xi32>
    %rem3A_456 = arith.remsi %shift_right_arithmetic3A_449, %rem3A_455 : vector<64x1x1xi32>
    %ne3A_457 = arith.constant 0 : i32
    %ne3A_458 = vector.broadcast %ne3A_457 : i32 to vector<64x1x1xi32>
    %ne3A_459 = arith.cmpi ne, %rem3A_456, %ne3A_458 : vector<64x1x1xi32>
    %lt3A_460 = arith.constant 0 : i32
    %lt3A_461 = vector.broadcast %lt3A_460 : i32 to vector<64x1x1xi32>
    %lt3A_462 = arith.cmpi slt, %rem3A_456, %lt3A_461 : vector<64x1x1xi32>
    %lt3A_463 = arith.constant 0 : i32
    %lt3A_464 = arith.cmpi slt, %select_n3A_454, %lt3A_463 : i32
    %ne3A_465 = vector.broadcast %lt3A_464 : i1 to vector<64x1x1xi1>
    %ne3A_466 = vector.broadcast %ne3A_465 : vector<64x1x1xi1> to vector<64x1x1xi1>
    %ne3A_467 = arith.xori %lt3A_462, %ne3A_466 : vector<64x1x1xi1>
    %and3A_468 = arith.andi %ne3A_467, %ne3A_459 : vector<64x1x1xi1>
    %add3A_469 = vector.broadcast %select_n3A_454 : i32 to vector<64x1x1xi32>
    %add3A_470 = arith.addi %rem3A_456, %add3A_469 : vector<64x1x1xi32>
    %select_n3A_471 = arith.select %and3A_468, %add3A_470, %rem3A_456 : vector<64x1x1xi1>, vector<64x1x1xi32>
    %eq3A_472 = arith.constant 0 : i32
    %eq3A_473 = vector.broadcast %eq3A_472 : i32 to vector<64x1x1xi32>
    %eq3A_474 = arith.cmpi eq, %select_n3A_471, %eq3A_473 : vector<64x1x1xi32>
    %eq3A_475 = arith.xori %eq3A_446, %eq3A_474 : vector<64x1x1xi1>
    %eq3A_476 = arith.constant dense<true> : vector<64x1x1xi1>
    %eq3A_477 = arith.xori %eq3A_475, %eq3A_476 : vector<64x1x1xi1>
    %reshape3A_478 = vector.shape_cast %reshape3A_414 : vector<128x1024xf32> to vector<64x2x1x1024xf32>
    %slice3A_479 = vector.extract_strided_slice %reshape3A_478 {offsets = [0, 0, 0, 0], sizes = [64, 1, 1, 1024], strides = [1, 1, 1, 1]} : vector<64x2x1x1024xf32> to vector<64x1x1x1024xf32>
    %squeeze3A_480 = vector.shape_cast %slice3A_479 : vector<64x1x1x1024xf32> to vector<64x1x1024xf32>
    %slice3A_481 = vector.extract_strided_slice %reshape3A_478 {offsets = [0, 1, 0, 0], sizes = [64, 1, 1, 1024], strides = [1, 1, 1, 1]} : vector<64x2x1x1024xf32> to vector<64x1x1x1024xf32>
    %squeeze3A_482 = vector.shape_cast %slice3A_481 : vector<64x1x1x1024xf32> to vector<64x1x1024xf32>
    %max3A_483 = arith.maximumf %squeeze3A_480, %squeeze3A_482 : vector<64x1x1024xf32>
    %min3A_484 = arith.minimumf %squeeze3A_480, %squeeze3A_482 : vector<64x1x1024xf32>
    %broadcast_in_dim3A_485 = vector.shape_cast %eq3A_477 : vector<64x1x1xi1> to vector<64x1x1xi1>
    %broadcast_in_dim3A_486 = vector.broadcast %broadcast_in_dim3A_485 : vector<64x1x1xi1> to vector<64x1x1024xi1>
    %select_n3A_487 = arith.select %broadcast_in_dim3A_486, %max3A_483, %min3A_484 : vector<64x1x1024xi1>, vector<64x1x1024xf32>
    %broadcast_in_dim3A_488 = vector.shape_cast %eq3A_477 : vector<64x1x1xi1> to vector<64x1x1xi1>
    %broadcast_in_dim3A_489 = vector.broadcast %broadcast_in_dim3A_488 : vector<64x1x1xi1> to vector<64x1x1024xi1>
    %select_n3A_490 = arith.select %broadcast_in_dim3A_489, %min3A_484, %max3A_483 : vector<64x1x1024xi1>, vector<64x1x1024xf32>
    %stack3A_491 = vector.shape_cast %select_n3A_487 : vector<64x1x1024xf32> to vector<64x1x1x1024xf32>
    %stack3A_492 = vector.shape_cast %select_n3A_490 : vector<64x1x1024xf32> to vector<64x1x1x1024xf32>
    %stack3A_493 = tpu.concatenate %stack3A_491, %stack3A_492 in 1 : vector<64x1x1x1024xf32>, vector<64x1x1x1024xf32> -> vector<64x2x1x1024xf32>
    %reshape3A_494 = vector.shape_cast %stack3A_493 : vector<64x2x1x1024xf32> to vector<128x1024xf32>
    %iota3A_495 = tpu.iota {dimensions = array<i32: 0>} : vector<8x1x1xi32>
    %mul3A_496 = arith.constant 16 : i32
    %mul3A_497 = vector.broadcast %mul3A_496 : i32 to vector<8x1x1xi32>
    %mul3A_498 = arith.muli %iota3A_495, %mul3A_497 : vector<8x1x1xi32>
    %jit3A_499 = arith.constant 16 : i32
    %eq3A_500 = arith.constant 0 : i32
    %eq3A_501 = arith.cmpi eq, %jit3A_499, %eq3A_500 : i32
    %jit3A_502 = arith.constant 1 : i32
    %select_n3A_503 = arith.select %eq3A_501, %jit3A_502, %jit3A_499 : i32
    %rem3A_504 = vector.broadcast %select_n3A_503 : i32 to vector<8x1x1xi32>
    %rem3A_505 = arith.remsi %mul3A_498, %rem3A_504 : vector<8x1x1xi32>
    %ne3A_506 = arith.constant 0 : i32
    %ne3A_507 = vector.broadcast %ne3A_506 : i32 to vector<8x1x1xi32>
    %ne3A_508 = arith.cmpi ne, %rem3A_505, %ne3A_507 : vector<8x1x1xi32>
    %lt3A_509 = arith.constant 0 : i32
    %lt3A_510 = vector.broadcast %lt3A_509 : i32 to vector<8x1x1xi32>
    %lt3A_511 = arith.cmpi slt, %rem3A_505, %lt3A_510 : vector<8x1x1xi32>
    %lt3A_512 = arith.constant 0 : i32
    %lt3A_513 = arith.cmpi slt, %select_n3A_503, %lt3A_512 : i32
    %ne3A_514 = vector.broadcast %lt3A_513 : i1 to vector<8x1x1xi1>
    %ne3A_515 = vector.broadcast %ne3A_514 : vector<8x1x1xi1> to vector<8x1x1xi1>
    %ne3A_516 = arith.xori %lt3A_511, %ne3A_515 : vector<8x1x1xi1>
    %and3A_517 = arith.andi %ne3A_516, %ne3A_508 : vector<8x1x1xi1>
    %add3A_518 = vector.broadcast %select_n3A_503 : i32 to vector<8x1x1xi32>
    %add3A_519 = arith.addi %rem3A_505, %add3A_518 : vector<8x1x1xi32>
    %select_n3A_520 = arith.select %and3A_517, %add3A_519, %rem3A_505 : vector<8x1x1xi1>, vector<8x1x1xi32>
    %and3A_521 = arith.constant 16 : i32
    %and3A_522 = vector.broadcast %and3A_521 : i32 to vector<8x1x1xi32>
    %and3A_523 = arith.andi %select_n3A_520, %and3A_522 : vector<8x1x1xi32>
    %eq3A_524 = arith.constant 0 : i32
    %eq3A_525 = vector.broadcast %eq3A_524 : i32 to vector<8x1x1xi32>
    %eq3A_526 = arith.cmpi eq, %and3A_523, %eq3A_525 : vector<8x1x1xi32>
    %shift_right_arithmetic3A_527 = arith.constant 4 : i32
    %shift_right_arithmetic3A_528 = vector.broadcast %shift_right_arithmetic3A_527 : i32 to vector<8x1x1xi32>
    %shift_right_arithmetic3A_529 = arith.shrsi %mul3A_498, %shift_right_arithmetic3A_528 : vector<8x1x1xi32>
    %jit3A_530 = arith.constant 2 : i32
    %eq3A_531 = arith.constant 0 : i32
    %eq3A_532 = arith.cmpi eq, %jit3A_530, %eq3A_531 : i32
    %jit3A_533 = arith.constant 1 : i32
    %select_n3A_534 = arith.select %eq3A_532, %jit3A_533, %jit3A_530 : i32
    %rem3A_535 = vector.broadcast %select_n3A_534 : i32 to vector<8x1x1xi32>
    %rem3A_536 = arith.remsi %shift_right_arithmetic3A_529, %rem3A_535 : vector<8x1x1xi32>
    %ne3A_537 = arith.constant 0 : i32
    %ne3A_538 = vector.broadcast %ne3A_537 : i32 to vector<8x1x1xi32>
    %ne3A_539 = arith.cmpi ne, %rem3A_536, %ne3A_538 : vector<8x1x1xi32>
    %lt3A_540 = arith.constant 0 : i32
    %lt3A_541 = vector.broadcast %lt3A_540 : i32 to vector<8x1x1xi32>
    %lt3A_542 = arith.cmpi slt, %rem3A_536, %lt3A_541 : vector<8x1x1xi32>
    %lt3A_543 = arith.constant 0 : i32
    %lt3A_544 = arith.cmpi slt, %select_n3A_534, %lt3A_543 : i32
    %ne3A_545 = vector.broadcast %lt3A_544 : i1 to vector<8x1x1xi1>
    %ne3A_546 = vector.broadcast %ne3A_545 : vector<8x1x1xi1> to vector<8x1x1xi1>
    %ne3A_547 = arith.xori %lt3A_542, %ne3A_546 : vector<8x1x1xi1>
    %and3A_548 = arith.andi %ne3A_547, %ne3A_539 : vector<8x1x1xi1>
    %add3A_549 = vector.broadcast %select_n3A_534 : i32 to vector<8x1x1xi32>
    %add3A_550 = arith.addi %rem3A_536, %add3A_549 : vector<8x1x1xi32>
    %select_n3A_551 = arith.select %and3A_548, %add3A_550, %rem3A_536 : vector<8x1x1xi1>, vector<8x1x1xi32>
    %eq3A_552 = arith.constant 0 : i32
    %eq3A_553 = vector.broadcast %eq3A_552 : i32 to vector<8x1x1xi32>
    %eq3A_554 = arith.cmpi eq, %select_n3A_551, %eq3A_553 : vector<8x1x1xi32>
    %eq3A_555 = arith.xori %eq3A_526, %eq3A_554 : vector<8x1x1xi1>
    %eq3A_556 = arith.constant dense<true> : vector<8x1x1xi1>
    %eq3A_557 = arith.xori %eq3A_555, %eq3A_556 : vector<8x1x1xi1>
    %reshape3A_558 = vector.shape_cast %reshape3A_494 : vector<128x1024xf32> to vector<8x2x8x1024xf32>
    %slice3A_559 = vector.extract_strided_slice %reshape3A_558 {offsets = [0, 0, 0, 0], sizes = [8, 1, 8, 1024], strides = [1, 1, 1, 1]} : vector<8x2x8x1024xf32> to vector<8x1x8x1024xf32>
    %squeeze3A_560 = vector.shape_cast %slice3A_559 : vector<8x1x8x1024xf32> to vector<8x8x1024xf32>
    %slice3A_561 = vector.extract_strided_slice %reshape3A_558 {offsets = [0, 1, 0, 0], sizes = [8, 1, 8, 1024], strides = [1, 1, 1, 1]} : vector<8x2x8x1024xf32> to vector<8x1x8x1024xf32>
    %squeeze3A_562 = vector.shape_cast %slice3A_561 : vector<8x1x8x1024xf32> to vector<8x8x1024xf32>
    %max3A_563 = arith.maximumf %squeeze3A_560, %squeeze3A_562 : vector<8x8x1024xf32>
    %min3A_564 = arith.minimumf %squeeze3A_560, %squeeze3A_562 : vector<8x8x1024xf32>
    %broadcast_in_dim3A_565 = vector.shape_cast %eq3A_557 : vector<8x1x1xi1> to vector<8x1x1xi1>
    %broadcast_in_dim3A_566 = vector.broadcast %broadcast_in_dim3A_565 : vector<8x1x1xi1> to vector<8x8x1024xi1>
    %select_n3A_567 = arith.select %broadcast_in_dim3A_566, %max3A_563, %min3A_564 : vector<8x8x1024xi1>, vector<8x8x1024xf32>
    %broadcast_in_dim3A_568 = vector.shape_cast %eq3A_557 : vector<8x1x1xi1> to vector<8x1x1xi1>
    %broadcast_in_dim3A_569 = vector.broadcast %broadcast_in_dim3A_568 : vector<8x1x1xi1> to vector<8x8x1024xi1>
    %select_n3A_570 = arith.select %broadcast_in_dim3A_569, %min3A_564, %max3A_563 : vector<8x8x1024xi1>, vector<8x8x1024xf32>
    %stack3A_571 = vector.shape_cast %select_n3A_567 : vector<8x8x1024xf32> to vector<8x1x8x1024xf32>
    %stack3A_572 = vector.shape_cast %select_n3A_570 : vector<8x8x1024xf32> to vector<8x1x8x1024xf32>
    %stack3A_573 = tpu.concatenate %stack3A_571, %stack3A_572 in 1 : vector<8x1x8x1024xf32>, vector<8x1x8x1024xf32> -> vector<8x2x8x1024xf32>
    %reshape3A_574 = vector.shape_cast %stack3A_573 : vector<8x2x8x1024xf32> to vector<128x1024xf32>
    %iota3A_575 = tpu.iota {dimensions = array<i32: 0>} : vector<16x1x1xi32>
    %mul3A_576 = arith.constant 8 : i32
    %mul3A_577 = vector.broadcast %mul3A_576 : i32 to vector<16x1x1xi32>
    %mul3A_578 = arith.muli %iota3A_575, %mul3A_577 : vector<16x1x1xi32>
    %jit3A_579 = arith.constant 16 : i32
    %eq3A_580 = arith.constant 0 : i32
    %eq3A_581 = arith.cmpi eq, %jit3A_579, %eq3A_580 : i32
    %jit3A_582 = arith.constant 1 : i32
    %select_n3A_583 = arith.select %eq3A_581, %jit3A_582, %jit3A_579 : i32
    %rem3A_584 = vector.broadcast %select_n3A_583 : i32 to vector<16x1x1xi32>
    %rem3A_585 = arith.remsi %mul3A_578, %rem3A_584 : vector<16x1x1xi32>
    %ne3A_586 = arith.constant 0 : i32
    %ne3A_587 = vector.broadcast %ne3A_586 : i32 to vector<16x1x1xi32>
    %ne3A_588 = arith.cmpi ne, %rem3A_585, %ne3A_587 : vector<16x1x1xi32>
    %lt3A_589 = arith.constant 0 : i32
    %lt3A_590 = vector.broadcast %lt3A_589 : i32 to vector<16x1x1xi32>
    %lt3A_591 = arith.cmpi slt, %rem3A_585, %lt3A_590 : vector<16x1x1xi32>
    %lt3A_592 = arith.constant 0 : i32
    %lt3A_593 = arith.cmpi slt, %select_n3A_583, %lt3A_592 : i32
    %ne3A_594 = vector.broadcast %lt3A_593 : i1 to vector<16x1x1xi1>
    %ne3A_595 = vector.broadcast %ne3A_594 : vector<16x1x1xi1> to vector<16x1x1xi1>
    %ne3A_596 = arith.xori %lt3A_591, %ne3A_595 : vector<16x1x1xi1>
    %and3A_597 = arith.andi %ne3A_596, %ne3A_588 : vector<16x1x1xi1>
    %add3A_598 = vector.broadcast %select_n3A_583 : i32 to vector<16x1x1xi32>
    %add3A_599 = arith.addi %rem3A_585, %add3A_598 : vector<16x1x1xi32>
    %select_n3A_600 = arith.select %and3A_597, %add3A_599, %rem3A_585 : vector<16x1x1xi1>, vector<16x1x1xi32>
    %and3A_601 = arith.constant 16 : i32
    %and3A_602 = vector.broadcast %and3A_601 : i32 to vector<16x1x1xi32>
    %and3A_603 = arith.andi %select_n3A_600, %and3A_602 : vector<16x1x1xi32>
    %eq3A_604 = arith.constant 0 : i32
    %eq3A_605 = vector.broadcast %eq3A_604 : i32 to vector<16x1x1xi32>
    %eq3A_606 = arith.cmpi eq, %and3A_603, %eq3A_605 : vector<16x1x1xi32>
    %shift_right_arithmetic3A_607 = arith.constant 4 : i32
    %shift_right_arithmetic3A_608 = vector.broadcast %shift_right_arithmetic3A_607 : i32 to vector<16x1x1xi32>
    %shift_right_arithmetic3A_609 = arith.shrsi %mul3A_578, %shift_right_arithmetic3A_608 : vector<16x1x1xi32>
    %jit3A_610 = arith.constant 2 : i32
    %eq3A_611 = arith.constant 0 : i32
    %eq3A_612 = arith.cmpi eq, %jit3A_610, %eq3A_611 : i32
    %jit3A_613 = arith.constant 1 : i32
    %select_n3A_614 = arith.select %eq3A_612, %jit3A_613, %jit3A_610 : i32
    %rem3A_615 = vector.broadcast %select_n3A_614 : i32 to vector<16x1x1xi32>
    %rem3A_616 = arith.remsi %shift_right_arithmetic3A_609, %rem3A_615 : vector<16x1x1xi32>
    %ne3A_617 = arith.constant 0 : i32
    %ne3A_618 = vector.broadcast %ne3A_617 : i32 to vector<16x1x1xi32>
    %ne3A_619 = arith.cmpi ne, %rem3A_616, %ne3A_618 : vector<16x1x1xi32>
    %lt3A_620 = arith.constant 0 : i32
    %lt3A_621 = vector.broadcast %lt3A_620 : i32 to vector<16x1x1xi32>
    %lt3A_622 = arith.cmpi slt, %rem3A_616, %lt3A_621 : vector<16x1x1xi32>
    %lt3A_623 = arith.constant 0 : i32
    %lt3A_624 = arith.cmpi slt, %select_n3A_614, %lt3A_623 : i32
    %ne3A_625 = vector.broadcast %lt3A_624 : i1 to vector<16x1x1xi1>
    %ne3A_626 = vector.broadcast %ne3A_625 : vector<16x1x1xi1> to vector<16x1x1xi1>
    %ne3A_627 = arith.xori %lt3A_622, %ne3A_626 : vector<16x1x1xi1>
    %and3A_628 = arith.andi %ne3A_627, %ne3A_619 : vector<16x1x1xi1>
    %add3A_629 = vector.broadcast %select_n3A_614 : i32 to vector<16x1x1xi32>
    %add3A_630 = arith.addi %rem3A_616, %add3A_629 : vector<16x1x1xi32>
    %select_n3A_631 = arith.select %and3A_628, %add3A_630, %rem3A_616 : vector<16x1x1xi1>, vector<16x1x1xi32>
    %eq3A_632 = arith.constant 0 : i32
    %eq3A_633 = vector.broadcast %eq3A_632 : i32 to vector<16x1x1xi32>
    %eq3A_634 = arith.cmpi eq, %select_n3A_631, %eq3A_633 : vector<16x1x1xi32>
    %eq3A_635 = arith.xori %eq3A_606, %eq3A_634 : vector<16x1x1xi1>
    %eq3A_636 = arith.constant dense<true> : vector<16x1x1xi1>
    %eq3A_637 = arith.xori %eq3A_635, %eq3A_636 : vector<16x1x1xi1>
    %reshape3A_638 = vector.shape_cast %reshape3A_574 : vector<128x1024xf32> to vector<16x2x4x1024xf32>
    %slice3A_639 = vector.extract_strided_slice %reshape3A_638 {offsets = [0, 0, 0, 0], sizes = [16, 1, 4, 1024], strides = [1, 1, 1, 1]} : vector<16x2x4x1024xf32> to vector<16x1x4x1024xf32>
    %squeeze3A_640 = vector.shape_cast %slice3A_639 : vector<16x1x4x1024xf32> to vector<16x4x1024xf32>
    %slice3A_641 = vector.extract_strided_slice %reshape3A_638 {offsets = [0, 1, 0, 0], sizes = [16, 1, 4, 1024], strides = [1, 1, 1, 1]} : vector<16x2x4x1024xf32> to vector<16x1x4x1024xf32>
    %squeeze3A_642 = vector.shape_cast %slice3A_641 : vector<16x1x4x1024xf32> to vector<16x4x1024xf32>
    %max3A_643 = arith.maximumf %squeeze3A_640, %squeeze3A_642 : vector<16x4x1024xf32>
    %min3A_644 = arith.minimumf %squeeze3A_640, %squeeze3A_642 : vector<16x4x1024xf32>
    %broadcast_in_dim3A_645 = vector.shape_cast %eq3A_637 : vector<16x1x1xi1> to vector<16x1x1xi1>
    %broadcast_in_dim3A_646 = vector.broadcast %broadcast_in_dim3A_645 : vector<16x1x1xi1> to vector<16x4x1024xi1>
    %select_n3A_647 = arith.select %broadcast_in_dim3A_646, %max3A_643, %min3A_644 : vector<16x4x1024xi1>, vector<16x4x1024xf32>
    %broadcast_in_dim3A_648 = vector.shape_cast %eq3A_637 : vector<16x1x1xi1> to vector<16x1x1xi1>
    %broadcast_in_dim3A_649 = vector.broadcast %broadcast_in_dim3A_648 : vector<16x1x1xi1> to vector<16x4x1024xi1>
    %select_n3A_650 = arith.select %broadcast_in_dim3A_649, %min3A_644, %max3A_643 : vector<16x4x1024xi1>, vector<16x4x1024xf32>
    %stack3A_651 = vector.shape_cast %select_n3A_647 : vector<16x4x1024xf32> to vector<16x1x4x1024xf32>
    %stack3A_652 = vector.shape_cast %select_n3A_650 : vector<16x4x1024xf32> to vector<16x1x4x1024xf32>
    %stack3A_653 = tpu.concatenate %stack3A_651, %stack3A_652 in 1 : vector<16x1x4x1024xf32>, vector<16x1x4x1024xf32> -> vector<16x2x4x1024xf32>
    %reshape3A_654 = vector.shape_cast %stack3A_653 : vector<16x2x4x1024xf32> to vector<128x1024xf32>
    %iota3A_655 = tpu.iota {dimensions = array<i32: 0>} : vector<32x1x1xi32>
    %mul3A_656 = arith.constant 4 : i32
    %mul3A_657 = vector.broadcast %mul3A_656 : i32 to vector<32x1x1xi32>
    %mul3A_658 = arith.muli %iota3A_655, %mul3A_657 : vector<32x1x1xi32>
    %jit3A_659 = arith.constant 16 : i32
    %eq3A_660 = arith.constant 0 : i32
    %eq3A_661 = arith.cmpi eq, %jit3A_659, %eq3A_660 : i32
    %jit3A_662 = arith.constant 1 : i32
    %select_n3A_663 = arith.select %eq3A_661, %jit3A_662, %jit3A_659 : i32
    %rem3A_664 = vector.broadcast %select_n3A_663 : i32 to vector<32x1x1xi32>
    %rem3A_665 = arith.remsi %mul3A_658, %rem3A_664 : vector<32x1x1xi32>
    %ne3A_666 = arith.constant 0 : i32
    %ne3A_667 = vector.broadcast %ne3A_666 : i32 to vector<32x1x1xi32>
    %ne3A_668 = arith.cmpi ne, %rem3A_665, %ne3A_667 : vector<32x1x1xi32>
    %lt3A_669 = arith.constant 0 : i32
    %lt3A_670 = vector.broadcast %lt3A_669 : i32 to vector<32x1x1xi32>
    %lt3A_671 = arith.cmpi slt, %rem3A_665, %lt3A_670 : vector<32x1x1xi32>
    %lt3A_672 = arith.constant 0 : i32
    %lt3A_673 = arith.cmpi slt, %select_n3A_663, %lt3A_672 : i32
    %ne3A_674 = vector.broadcast %lt3A_673 : i1 to vector<32x1x1xi1>
    %ne3A_675 = vector.broadcast %ne3A_674 : vector<32x1x1xi1> to vector<32x1x1xi1>
    %ne3A_676 = arith.xori %lt3A_671, %ne3A_675 : vector<32x1x1xi1>
    %and3A_677 = arith.andi %ne3A_676, %ne3A_668 : vector<32x1x1xi1>
    %add3A_678 = vector.broadcast %select_n3A_663 : i32 to vector<32x1x1xi32>
    %add3A_679 = arith.addi %rem3A_665, %add3A_678 : vector<32x1x1xi32>
    %select_n3A_680 = arith.select %and3A_677, %add3A_679, %rem3A_665 : vector<32x1x1xi1>, vector<32x1x1xi32>
    %and3A_681 = arith.constant 16 : i32
    %and3A_682 = vector.broadcast %and3A_681 : i32 to vector<32x1x1xi32>
    %and3A_683 = arith.andi %select_n3A_680, %and3A_682 : vector<32x1x1xi32>
    %eq3A_684 = arith.constant 0 : i32
    %eq3A_685 = vector.broadcast %eq3A_684 : i32 to vector<32x1x1xi32>
    %eq3A_686 = arith.cmpi eq, %and3A_683, %eq3A_685 : vector<32x1x1xi32>
    %shift_right_arithmetic3A_687 = arith.constant 4 : i32
    %shift_right_arithmetic3A_688 = vector.broadcast %shift_right_arithmetic3A_687 : i32 to vector<32x1x1xi32>
    %shift_right_arithmetic3A_689 = arith.shrsi %mul3A_658, %shift_right_arithmetic3A_688 : vector<32x1x1xi32>
    %jit3A_690 = arith.constant 2 : i32
    %eq3A_691 = arith.constant 0 : i32
    %eq3A_692 = arith.cmpi eq, %jit3A_690, %eq3A_691 : i32
    %jit3A_693 = arith.constant 1 : i32
    %select_n3A_694 = arith.select %eq3A_692, %jit3A_693, %jit3A_690 : i32
    %rem3A_695 = vector.broadcast %select_n3A_694 : i32 to vector<32x1x1xi32>
    %rem3A_696 = arith.remsi %shift_right_arithmetic3A_689, %rem3A_695 : vector<32x1x1xi32>
    %ne3A_697 = arith.constant 0 : i32
    %ne3A_698 = vector.broadcast %ne3A_697 : i32 to vector<32x1x1xi32>
    %ne3A_699 = arith.cmpi ne, %rem3A_696, %ne3A_698 : vector<32x1x1xi32>
    %lt3A_700 = arith.constant 0 : i32
    %lt3A_701 = vector.broadcast %lt3A_700 : i32 to vector<32x1x1xi32>
    %lt3A_702 = arith.cmpi slt, %rem3A_696, %lt3A_701 : vector<32x1x1xi32>
    %lt3A_703 = arith.constant 0 : i32
    %lt3A_704 = arith.cmpi slt, %select_n3A_694, %lt3A_703 : i32
    %ne3A_705 = vector.broadcast %lt3A_704 : i1 to vector<32x1x1xi1>
    %ne3A_706 = vector.broadcast %ne3A_705 : vector<32x1x1xi1> to vector<32x1x1xi1>
    %ne3A_707 = arith.xori %lt3A_702, %ne3A_706 : vector<32x1x1xi1>
    %and3A_708 = arith.andi %ne3A_707, %ne3A_699 : vector<32x1x1xi1>
    %add3A_709 = vector.broadcast %select_n3A_694 : i32 to vector<32x1x1xi32>
    %add3A_710 = arith.addi %rem3A_696, %add3A_709 : vector<32x1x1xi32>
    %select_n3A_711 = arith.select %and3A_708, %add3A_710, %rem3A_696 : vector<32x1x1xi1>, vector<32x1x1xi32>
    %eq3A_712 = arith.constant 0 : i32
    %eq3A_713 = vector.broadcast %eq3A_712 : i32 to vector<32x1x1xi32>
    %eq3A_714 = arith.cmpi eq, %select_n3A_711, %eq3A_713 : vector<32x1x1xi32>
    %eq3A_715 = arith.xori %eq3A_686, %eq3A_714 : vector<32x1x1xi1>
    %eq3A_716 = arith.constant dense<true> : vector<32x1x1xi1>
    %eq3A_717 = arith.xori %eq3A_715, %eq3A_716 : vector<32x1x1xi1>
    %reshape3A_718 = vector.shape_cast %reshape3A_654 : vector<128x1024xf32> to vector<32x2x2x1024xf32>
    %slice3A_719 = vector.extract_strided_slice %reshape3A_718 {offsets = [0, 0, 0, 0], sizes = [32, 1, 2, 1024], strides = [1, 1, 1, 1]} : vector<32x2x2x1024xf32> to vector<32x1x2x1024xf32>
    %squeeze3A_720 = vector.shape_cast %slice3A_719 : vector<32x1x2x1024xf32> to vector<32x2x1024xf32>
    %slice3A_721 = vector.extract_strided_slice %reshape3A_718 {offsets = [0, 1, 0, 0], sizes = [32, 1, 2, 1024], strides = [1, 1, 1, 1]} : vector<32x2x2x1024xf32> to vector<32x1x2x1024xf32>
    %squeeze3A_722 = vector.shape_cast %slice3A_721 : vector<32x1x2x1024xf32> to vector<32x2x1024xf32>
    %max3A_723 = arith.maximumf %squeeze3A_720, %squeeze3A_722 : vector<32x2x1024xf32>
    %min3A_724 = arith.minimumf %squeeze3A_720, %squeeze3A_722 : vector<32x2x1024xf32>
    %broadcast_in_dim3A_725 = vector.shape_cast %eq3A_717 : vector<32x1x1xi1> to vector<32x1x1xi1>
    %broadcast_in_dim3A_726 = vector.broadcast %broadcast_in_dim3A_725 : vector<32x1x1xi1> to vector<32x2x1024xi1>
    %select_n3A_727 = arith.select %broadcast_in_dim3A_726, %max3A_723, %min3A_724 : vector<32x2x1024xi1>, vector<32x2x1024xf32>
    %broadcast_in_dim3A_728 = vector.shape_cast %eq3A_717 : vector<32x1x1xi1> to vector<32x1x1xi1>
    %broadcast_in_dim3A_729 = vector.broadcast %broadcast_in_dim3A_728 : vector<32x1x1xi1> to vector<32x2x1024xi1>
    %select_n3A_730 = arith.select %broadcast_in_dim3A_729, %min3A_724, %max3A_723 : vector<32x2x1024xi1>, vector<32x2x1024xf32>
    %stack3A_731 = vector.shape_cast %select_n3A_727 : vector<32x2x1024xf32> to vector<32x1x2x1024xf32>
    %stack3A_732 = vector.shape_cast %select_n3A_730 : vector<32x2x1024xf32> to vector<32x1x2x1024xf32>
    %stack3A_733 = tpu.concatenate %stack3A_731, %stack3A_732 in 1 : vector<32x1x2x1024xf32>, vector<32x1x2x1024xf32> -> vector<32x2x2x1024xf32>
    %reshape3A_734 = vector.shape_cast %stack3A_733 : vector<32x2x2x1024xf32> to vector<128x1024xf32>
    %iota3A_735 = tpu.iota {dimensions = array<i32: 0>} : vector<64x1x1xi32>
    %mul3A_736 = arith.constant 2 : i32
    %mul3A_737 = vector.broadcast %mul3A_736 : i32 to vector<64x1x1xi32>
    %mul3A_738 = arith.muli %iota3A_735, %mul3A_737 : vector<64x1x1xi32>
    %jit3A_739 = arith.constant 16 : i32
    %eq3A_740 = arith.constant 0 : i32
    %eq3A_741 = arith.cmpi eq, %jit3A_739, %eq3A_740 : i32
    %jit3A_742 = arith.constant 1 : i32
    %select_n3A_743 = arith.select %eq3A_741, %jit3A_742, %jit3A_739 : i32
    %rem3A_744 = vector.broadcast %select_n3A_743 : i32 to vector<64x1x1xi32>
    %rem3A_745 = arith.remsi %mul3A_738, %rem3A_744 : vector<64x1x1xi32>
    %ne3A_746 = arith.constant 0 : i32
    %ne3A_747 = vector.broadcast %ne3A_746 : i32 to vector<64x1x1xi32>
    %ne3A_748 = arith.cmpi ne, %rem3A_745, %ne3A_747 : vector<64x1x1xi32>
    %lt3A_749 = arith.constant 0 : i32
    %lt3A_750 = vector.broadcast %lt3A_749 : i32 to vector<64x1x1xi32>
    %lt3A_751 = arith.cmpi slt, %rem3A_745, %lt3A_750 : vector<64x1x1xi32>
    %lt3A_752 = arith.constant 0 : i32
    %lt3A_753 = arith.cmpi slt, %select_n3A_743, %lt3A_752 : i32
    %ne3A_754 = vector.broadcast %lt3A_753 : i1 to vector<64x1x1xi1>
    %ne3A_755 = vector.broadcast %ne3A_754 : vector<64x1x1xi1> to vector<64x1x1xi1>
    %ne3A_756 = arith.xori %lt3A_751, %ne3A_755 : vector<64x1x1xi1>
    %and3A_757 = arith.andi %ne3A_756, %ne3A_748 : vector<64x1x1xi1>
    %add3A_758 = vector.broadcast %select_n3A_743 : i32 to vector<64x1x1xi32>
    %add3A_759 = arith.addi %rem3A_745, %add3A_758 : vector<64x1x1xi32>
    %select_n3A_760 = arith.select %and3A_757, %add3A_759, %rem3A_745 : vector<64x1x1xi1>, vector<64x1x1xi32>
    %and3A_761 = arith.constant 16 : i32
    %and3A_762 = vector.broadcast %and3A_761 : i32 to vector<64x1x1xi32>
    %and3A_763 = arith.andi %select_n3A_760, %and3A_762 : vector<64x1x1xi32>
    %eq3A_764 = arith.constant 0 : i32
    %eq3A_765 = vector.broadcast %eq3A_764 : i32 to vector<64x1x1xi32>
    %eq3A_766 = arith.cmpi eq, %and3A_763, %eq3A_765 : vector<64x1x1xi32>
    %shift_right_arithmetic3A_767 = arith.constant 4 : i32
    %shift_right_arithmetic3A_768 = vector.broadcast %shift_right_arithmetic3A_767 : i32 to vector<64x1x1xi32>
    %shift_right_arithmetic3A_769 = arith.shrsi %mul3A_738, %shift_right_arithmetic3A_768 : vector<64x1x1xi32>
    %jit3A_770 = arith.constant 2 : i32
    %eq3A_771 = arith.constant 0 : i32
    %eq3A_772 = arith.cmpi eq, %jit3A_770, %eq3A_771 : i32
    %jit3A_773 = arith.constant 1 : i32
    %select_n3A_774 = arith.select %eq3A_772, %jit3A_773, %jit3A_770 : i32
    %rem3A_775 = vector.broadcast %select_n3A_774 : i32 to vector<64x1x1xi32>
    %rem3A_776 = arith.remsi %shift_right_arithmetic3A_769, %rem3A_775 : vector<64x1x1xi32>
    %ne3A_777 = arith.constant 0 : i32
    %ne3A_778 = vector.broadcast %ne3A_777 : i32 to vector<64x1x1xi32>
    %ne3A_779 = arith.cmpi ne, %rem3A_776, %ne3A_778 : vector<64x1x1xi32>
    %lt3A_780 = arith.constant 0 : i32
    %lt3A_781 = vector.broadcast %lt3A_780 : i32 to vector<64x1x1xi32>
    %lt3A_782 = arith.cmpi slt, %rem3A_776, %lt3A_781 : vector<64x1x1xi32>
    %lt3A_783 = arith.constant 0 : i32
    %lt3A_784 = arith.cmpi slt, %select_n3A_774, %lt3A_783 : i32
    %ne3A_785 = vector.broadcast %lt3A_784 : i1 to vector<64x1x1xi1>
    %ne3A_786 = vector.broadcast %ne3A_785 : vector<64x1x1xi1> to vector<64x1x1xi1>
    %ne3A_787 = arith.xori %lt3A_782, %ne3A_786 : vector<64x1x1xi1>
    %and3A_788 = arith.andi %ne3A_787, %ne3A_779 : vector<64x1x1xi1>
    %add3A_789 = vector.broadcast %select_n3A_774 : i32 to vector<64x1x1xi32>
    %add3A_790 = arith.addi %rem3A_776, %add3A_789 : vector<64x1x1xi32>
    %select_n3A_791 = arith.select %and3A_788, %add3A_790, %rem3A_776 : vector<64x1x1xi1>, vector<64x1x1xi32>
    %eq3A_792 = arith.constant 0 : i32
    %eq3A_793 = vector.broadcast %eq3A_792 : i32 to vector<64x1x1xi32>
    %eq3A_794 = arith.cmpi eq, %select_n3A_791, %eq3A_793 : vector<64x1x1xi32>
    %eq3A_795 = arith.xori %eq3A_766, %eq3A_794 : vector<64x1x1xi1>
    %eq3A_796 = arith.constant dense<true> : vector<64x1x1xi1>
    %eq3A_797 = arith.xori %eq3A_795, %eq3A_796 : vector<64x1x1xi1>
    %reshape3A_798 = vector.shape_cast %reshape3A_734 : vector<128x1024xf32> to vector<64x2x1x1024xf32>
    %slice3A_799 = vector.extract_strided_slice %reshape3A_798 {offsets = [0, 0, 0, 0], sizes = [64, 1, 1, 1024], strides = [1, 1, 1, 1]} : vector<64x2x1x1024xf32> to vector<64x1x1x1024xf32>
    %squeeze3A_800 = vector.shape_cast %slice3A_799 : vector<64x1x1x1024xf32> to vector<64x1x1024xf32>
    %slice3A_801 = vector.extract_strided_slice %reshape3A_798 {offsets = [0, 1, 0, 0], sizes = [64, 1, 1, 1024], strides = [1, 1, 1, 1]} : vector<64x2x1x1024xf32> to vector<64x1x1x1024xf32>
    %squeeze3A_802 = vector.shape_cast %slice3A_801 : vector<64x1x1x1024xf32> to vector<64x1x1024xf32>
    %max3A_803 = arith.maximumf %squeeze3A_800, %squeeze3A_802 : vector<64x1x1024xf32>
    %min3A_804 = arith.minimumf %squeeze3A_800, %squeeze3A_802 : vector<64x1x1024xf32>
    %broadcast_in_dim3A_805 = vector.shape_cast %eq3A_797 : vector<64x1x1xi1> to vector<64x1x1xi1>
    %broadcast_in_dim3A_806 = vector.broadcast %broadcast_in_dim3A_805 : vector<64x1x1xi1> to vector<64x1x1024xi1>
    %select_n3A_807 = arith.select %broadcast_in_dim3A_806, %max3A_803, %min3A_804 : vector<64x1x1024xi1>, vector<64x1x1024xf32>
    %broadcast_in_dim3A_808 = vector.shape_cast %eq3A_797 : vector<64x1x1xi1> to vector<64x1x1xi1>
    %broadcast_in_dim3A_809 = vector.broadcast %broadcast_in_dim3A_808 : vector<64x1x1xi1> to vector<64x1x1024xi1>
    %select_n3A_810 = arith.select %broadcast_in_dim3A_809, %min3A_804, %max3A_803 : vector<64x1x1024xi1>, vector<64x1x1024xf32>
    %stack3A_811 = vector.shape_cast %select_n3A_807 : vector<64x1x1024xf32> to vector<64x1x1x1024xf32>
    %stack3A_812 = vector.shape_cast %select_n3A_810 : vector<64x1x1024xf32> to vector<64x1x1x1024xf32>
    %stack3A_813 = tpu.concatenate %stack3A_811, %stack3A_812 in 1 : vector<64x1x1x1024xf32>, vector<64x1x1x1024xf32> -> vector<64x2x1x1024xf32>
    %reshape3A_814 = vector.shape_cast %stack3A_813 : vector<64x2x1x1024xf32> to vector<128x1024xf32>
    %reshape3A_815 = vector.shape_cast %reshape3A_814 : vector<128x1024xf32> to vector<4x2x16x1024xf32>
    %slice3A_816 = vector.extract_strided_slice %reshape3A_815 {offsets = [0, 0, 0, 0], sizes = [4, 1, 16, 1024], strides = [1, 1, 1, 1]} : vector<4x2x16x1024xf32> to vector<4x1x16x1024xf32>
    %squeeze3A_817 = vector.shape_cast %slice3A_816 : vector<4x1x16x1024xf32> to vector<4x16x1024xf32>
    %slice3A_818 = vector.extract_strided_slice %reshape3A_815 {offsets = [0, 1, 0, 0], sizes = [4, 1, 16, 1024], strides = [1, 1, 1, 1]} : vector<4x2x16x1024xf32> to vector<4x1x16x1024xf32>
    %squeeze3A_819 = vector.shape_cast %slice3A_818 : vector<4x1x16x1024xf32> to vector<4x16x1024xf32>
    %max3A_820 = arith.maximumf %squeeze3A_817, %squeeze3A_819 : vector<4x16x1024xf32>
    %reshape3A_821 = vector.shape_cast %max3A_820 : vector<4x16x1024xf32> to vector<64x1024xf32>
    %iota3A_822 = tpu.iota {dimensions = array<i32: 0>} : vector<4x1x1xi32>
    %mul3A_823 = arith.constant 16 : i32
    %mul3A_824 = vector.broadcast %mul3A_823 : i32 to vector<4x1x1xi32>
    %mul3A_825 = arith.muli %iota3A_822, %mul3A_824 : vector<4x1x1xi32>
    %shift_right_arithmetic3A_826 = arith.constant 4 : i32
    %shift_right_arithmetic3A_827 = vector.broadcast %shift_right_arithmetic3A_826 : i32 to vector<4x1x1xi32>
    %shift_right_arithmetic3A_828 = arith.shrsi %mul3A_825, %shift_right_arithmetic3A_827 : vector<4x1x1xi32>
    %jit3A_829 = arith.constant 2 : i32
    %eq3A_830 = arith.constant 0 : i32
    %eq3A_831 = arith.cmpi eq, %jit3A_829, %eq3A_830 : i32
    %jit3A_832 = arith.constant 1 : i32
    %select_n3A_833 = arith.select %eq3A_831, %jit3A_832, %jit3A_829 : i32
    %rem3A_834 = vector.broadcast %select_n3A_833 : i32 to vector<4x1x1xi32>
    %rem3A_835 = arith.remsi %shift_right_arithmetic3A_828, %rem3A_834 : vector<4x1x1xi32>
    %ne3A_836 = arith.constant 0 : i32
    %ne3A_837 = vector.broadcast %ne3A_836 : i32 to vector<4x1x1xi32>
    %ne3A_838 = arith.cmpi ne, %rem3A_835, %ne3A_837 : vector<4x1x1xi32>
    %lt3A_839 = arith.constant 0 : i32
    %lt3A_840 = vector.broadcast %lt3A_839 : i32 to vector<4x1x1xi32>
    %lt3A_841 = arith.cmpi slt, %rem3A_835, %lt3A_840 : vector<4x1x1xi32>
    %lt3A_842 = arith.constant 0 : i32
    %lt3A_843 = arith.cmpi slt, %select_n3A_833, %lt3A_842 : i32
    %ne3A_844 = vector.broadcast %lt3A_843 : i1 to vector<4x1x1xi1>
    %ne3A_845 = vector.broadcast %ne3A_844 : vector<4x1x1xi1> to vector<4x1x1xi1>
    %ne3A_846 = arith.xori %lt3A_841, %ne3A_845 : vector<4x1x1xi1>
    %and3A_847 = arith.andi %ne3A_846, %ne3A_838 : vector<4x1x1xi1>
    %add3A_848 = vector.broadcast %select_n3A_833 : i32 to vector<4x1x1xi32>
    %add3A_849 = arith.addi %rem3A_835, %add3A_848 : vector<4x1x1xi32>
    %select_n3A_850 = arith.select %and3A_847, %add3A_849, %rem3A_835 : vector<4x1x1xi1>, vector<4x1x1xi32>
    %eq3A_851 = arith.constant 0 : i32
    %eq3A_852 = vector.broadcast %eq3A_851 : i32 to vector<4x1x1xi32>
    %eq3A_853 = arith.cmpi eq, %select_n3A_850, %eq3A_852 : vector<4x1x1xi32>
    %reshape3A_854 = vector.shape_cast %reshape3A_821 : vector<64x1024xf32> to vector<4x2x8x1024xf32>
    %slice3A_855 = vector.extract_strided_slice %reshape3A_854 {offsets = [0, 0, 0, 0], sizes = [4, 1, 8, 1024], strides = [1, 1, 1, 1]} : vector<4x2x8x1024xf32> to vector<4x1x8x1024xf32>
    %squeeze3A_856 = vector.shape_cast %slice3A_855 : vector<4x1x8x1024xf32> to vector<4x8x1024xf32>
    %slice3A_857 = vector.extract_strided_slice %reshape3A_854 {offsets = [0, 1, 0, 0], sizes = [4, 1, 8, 1024], strides = [1, 1, 1, 1]} : vector<4x2x8x1024xf32> to vector<4x1x8x1024xf32>
    %squeeze3A_858 = vector.shape_cast %slice3A_857 : vector<4x1x8x1024xf32> to vector<4x8x1024xf32>
    %max3A_859 = arith.maximumf %squeeze3A_856, %squeeze3A_858 : vector<4x8x1024xf32>
    %min3A_860 = arith.minimumf %squeeze3A_856, %squeeze3A_858 : vector<4x8x1024xf32>
    %broadcast_in_dim3A_861 = vector.shape_cast %eq3A_853 : vector<4x1x1xi1> to vector<4x1x1xi1>
    %broadcast_in_dim3A_862 = vector.broadcast %broadcast_in_dim3A_861 : vector<4x1x1xi1> to vector<4x8x1024xi1>
    %select_n3A_863 = arith.select %broadcast_in_dim3A_862, %max3A_859, %min3A_860 : vector<4x8x1024xi1>, vector<4x8x1024xf32>
    %broadcast_in_dim3A_864 = vector.shape_cast %eq3A_853 : vector<4x1x1xi1> to vector<4x1x1xi1>
    %broadcast_in_dim3A_865 = vector.broadcast %broadcast_in_dim3A_864 : vector<4x1x1xi1> to vector<4x8x1024xi1>
    %select_n3A_866 = arith.select %broadcast_in_dim3A_865, %min3A_860, %max3A_859 : vector<4x8x1024xi1>, vector<4x8x1024xf32>
    %stack3A_867 = vector.shape_cast %select_n3A_863 : vector<4x8x1024xf32> to vector<4x1x8x1024xf32>
    %stack3A_868 = vector.shape_cast %select_n3A_866 : vector<4x8x1024xf32> to vector<4x1x8x1024xf32>
    %stack3A_869 = tpu.concatenate %stack3A_867, %stack3A_868 in 1 : vector<4x1x8x1024xf32>, vector<4x1x8x1024xf32> -> vector<4x2x8x1024xf32>
    %reshape3A_870 = vector.shape_cast %stack3A_869 : vector<4x2x8x1024xf32> to vector<64x1024xf32>
    %iota3A_871 = tpu.iota {dimensions = array<i32: 0>} : vector<8x1x1xi32>
    %mul3A_872 = arith.constant 8 : i32
    %mul3A_873 = vector.broadcast %mul3A_872 : i32 to vector<8x1x1xi32>
    %mul3A_874 = arith.muli %iota3A_871, %mul3A_873 : vector<8x1x1xi32>
    %shift_right_arithmetic3A_875 = arith.constant 4 : i32
    %shift_right_arithmetic3A_876 = vector.broadcast %shift_right_arithmetic3A_875 : i32 to vector<8x1x1xi32>
    %shift_right_arithmetic3A_877 = arith.shrsi %mul3A_874, %shift_right_arithmetic3A_876 : vector<8x1x1xi32>
    %jit3A_878 = arith.constant 2 : i32
    %eq3A_879 = arith.constant 0 : i32
    %eq3A_880 = arith.cmpi eq, %jit3A_878, %eq3A_879 : i32
    %jit3A_881 = arith.constant 1 : i32
    %select_n3A_882 = arith.select %eq3A_880, %jit3A_881, %jit3A_878 : i32
    %rem3A_883 = vector.broadcast %select_n3A_882 : i32 to vector<8x1x1xi32>
    %rem3A_884 = arith.remsi %shift_right_arithmetic3A_877, %rem3A_883 : vector<8x1x1xi32>
    %ne3A_885 = arith.constant 0 : i32
    %ne3A_886 = vector.broadcast %ne3A_885 : i32 to vector<8x1x1xi32>
    %ne3A_887 = arith.cmpi ne, %rem3A_884, %ne3A_886 : vector<8x1x1xi32>
    %lt3A_888 = arith.constant 0 : i32
    %lt3A_889 = vector.broadcast %lt3A_888 : i32 to vector<8x1x1xi32>
    %lt3A_890 = arith.cmpi slt, %rem3A_884, %lt3A_889 : vector<8x1x1xi32>
    %lt3A_891 = arith.constant 0 : i32
    %lt3A_892 = arith.cmpi slt, %select_n3A_882, %lt3A_891 : i32
    %ne3A_893 = vector.broadcast %lt3A_892 : i1 to vector<8x1x1xi1>
    %ne3A_894 = vector.broadcast %ne3A_893 : vector<8x1x1xi1> to vector<8x1x1xi1>
    %ne3A_895 = arith.xori %lt3A_890, %ne3A_894 : vector<8x1x1xi1>
    %and3A_896 = arith.andi %ne3A_895, %ne3A_887 : vector<8x1x1xi1>
    %add3A_897 = vector.broadcast %select_n3A_882 : i32 to vector<8x1x1xi32>
    %add3A_898 = arith.addi %rem3A_884, %add3A_897 : vector<8x1x1xi32>
    %select_n3A_899 = arith.select %and3A_896, %add3A_898, %rem3A_884 : vector<8x1x1xi1>, vector<8x1x1xi32>
    %eq3A_900 = arith.constant 0 : i32
    %eq3A_901 = vector.broadcast %eq3A_900 : i32 to vector<8x1x1xi32>
    %eq3A_902 = arith.cmpi eq, %select_n3A_899, %eq3A_901 : vector<8x1x1xi32>
    %reshape3A_903 = vector.shape_cast %reshape3A_870 : vector<64x1024xf32> to vector<8x2x4x1024xf32>
    %slice3A_904 = vector.extract_strided_slice %reshape3A_903 {offsets = [0, 0, 0, 0], sizes = [8, 1, 4, 1024], strides = [1, 1, 1, 1]} : vector<8x2x4x1024xf32> to vector<8x1x4x1024xf32>
    %squeeze3A_905 = vector.shape_cast %slice3A_904 : vector<8x1x4x1024xf32> to vector<8x4x1024xf32>
    %slice3A_906 = vector.extract_strided_slice %reshape3A_903 {offsets = [0, 1, 0, 0], sizes = [8, 1, 4, 1024], strides = [1, 1, 1, 1]} : vector<8x2x4x1024xf32> to vector<8x1x4x1024xf32>
    %squeeze3A_907 = vector.shape_cast %slice3A_906 : vector<8x1x4x1024xf32> to vector<8x4x1024xf32>
    %max3A_908 = arith.maximumf %squeeze3A_905, %squeeze3A_907 : vector<8x4x1024xf32>
    %min3A_909 = arith.minimumf %squeeze3A_905, %squeeze3A_907 : vector<8x4x1024xf32>
    %broadcast_in_dim3A_910 = vector.shape_cast %eq3A_902 : vector<8x1x1xi1> to vector<8x1x1xi1>
    %broadcast_in_dim3A_911 = vector.broadcast %broadcast_in_dim3A_910 : vector<8x1x1xi1> to vector<8x4x1024xi1>
    %select_n3A_912 = arith.select %broadcast_in_dim3A_911, %max3A_908, %min3A_909 : vector<8x4x1024xi1>, vector<8x4x1024xf32>
    %broadcast_in_dim3A_913 = vector.shape_cast %eq3A_902 : vector<8x1x1xi1> to vector<8x1x1xi1>
    %broadcast_in_dim3A_914 = vector.broadcast %broadcast_in_dim3A_913 : vector<8x1x1xi1> to vector<8x4x1024xi1>
    %select_n3A_915 = arith.select %broadcast_in_dim3A_914, %min3A_909, %max3A_908 : vector<8x4x1024xi1>, vector<8x4x1024xf32>
    %stack3A_916 = vector.shape_cast %select_n3A_912 : vector<8x4x1024xf32> to vector<8x1x4x1024xf32>
    %stack3A_917 = vector.shape_cast %select_n3A_915 : vector<8x4x1024xf32> to vector<8x1x4x1024xf32>
    %stack3A_918 = tpu.concatenate %stack3A_916, %stack3A_917 in 1 : vector<8x1x4x1024xf32>, vector<8x1x4x1024xf32> -> vector<8x2x4x1024xf32>
    %reshape3A_919 = vector.shape_cast %stack3A_918 : vector<8x2x4x1024xf32> to vector<64x1024xf32>
    %iota3A_920 = tpu.iota {dimensions = array<i32: 0>} : vector<16x1x1xi32>
    %mul3A_921 = arith.constant 4 : i32
    %mul3A_922 = vector.broadcast %mul3A_921 : i32 to vector<16x1x1xi32>
    %mul3A_923 = arith.muli %iota3A_920, %mul3A_922 : vector<16x1x1xi32>
    %shift_right_arithmetic3A_924 = arith.constant 4 : i32
    %shift_right_arithmetic3A_925 = vector.broadcast %shift_right_arithmetic3A_924 : i32 to vector<16x1x1xi32>
    %shift_right_arithmetic3A_926 = arith.shrsi %mul3A_923, %shift_right_arithmetic3A_925 : vector<16x1x1xi32>
    %jit3A_927 = arith.constant 2 : i32
    %eq3A_928 = arith.constant 0 : i32
    %eq3A_929 = arith.cmpi eq, %jit3A_927, %eq3A_928 : i32
    %jit3A_930 = arith.constant 1 : i32
    %select_n3A_931 = arith.select %eq3A_929, %jit3A_930, %jit3A_927 : i32
    %rem3A_932 = vector.broadcast %select_n3A_931 : i32 to vector<16x1x1xi32>
    %rem3A_933 = arith.remsi %shift_right_arithmetic3A_926, %rem3A_932 : vector<16x1x1xi32>
    %ne3A_934 = arith.constant 0 : i32
    %ne3A_935 = vector.broadcast %ne3A_934 : i32 to vector<16x1x1xi32>
    %ne3A_936 = arith.cmpi ne, %rem3A_933, %ne3A_935 : vector<16x1x1xi32>
    %lt3A_937 = arith.constant 0 : i32
    %lt3A_938 = vector.broadcast %lt3A_937 : i32 to vector<16x1x1xi32>
    %lt3A_939 = arith.cmpi slt, %rem3A_933, %lt3A_938 : vector<16x1x1xi32>
    %lt3A_940 = arith.constant 0 : i32
    %lt3A_941 = arith.cmpi slt, %select_n3A_931, %lt3A_940 : i32
    %ne3A_942 = vector.broadcast %lt3A_941 : i1 to vector<16x1x1xi1>
    %ne3A_943 = vector.broadcast %ne3A_942 : vector<16x1x1xi1> to vector<16x1x1xi1>
    %ne3A_944 = arith.xori %lt3A_939, %ne3A_943 : vector<16x1x1xi1>
    %and3A_945 = arith.andi %ne3A_944, %ne3A_936 : vector<16x1x1xi1>
    %add3A_946 = vector.broadcast %select_n3A_931 : i32 to vector<16x1x1xi32>
    %add3A_947 = arith.addi %rem3A_933, %add3A_946 : vector<16x1x1xi32>
    %select_n3A_948 = arith.select %and3A_945, %add3A_947, %rem3A_933 : vector<16x1x1xi1>, vector<16x1x1xi32>
    %eq3A_949 = arith.constant 0 : i32
    %eq3A_950 = vector.broadcast %eq3A_949 : i32 to vector<16x1x1xi32>
    %eq3A_951 = arith.cmpi eq, %select_n3A_948, %eq3A_950 : vector<16x1x1xi32>
    %reshape3A_952 = vector.shape_cast %reshape3A_919 : vector<64x1024xf32> to vector<16x2x2x1024xf32>
    %slice3A_953 = vector.extract_strided_slice %reshape3A_952 {offsets = [0, 0, 0, 0], sizes = [16, 1, 2, 1024], strides = [1, 1, 1, 1]} : vector<16x2x2x1024xf32> to vector<16x1x2x1024xf32>
    %squeeze3A_954 = vector.shape_cast %slice3A_953 : vector<16x1x2x1024xf32> to vector<16x2x1024xf32>
    %slice3A_955 = vector.extract_strided_slice %reshape3A_952 {offsets = [0, 1, 0, 0], sizes = [16, 1, 2, 1024], strides = [1, 1, 1, 1]} : vector<16x2x2x1024xf32> to vector<16x1x2x1024xf32>
    %squeeze3A_956 = vector.shape_cast %slice3A_955 : vector<16x1x2x1024xf32> to vector<16x2x1024xf32>
    %max3A_957 = arith.maximumf %squeeze3A_954, %squeeze3A_956 : vector<16x2x1024xf32>
    %min3A_958 = arith.minimumf %squeeze3A_954, %squeeze3A_956 : vector<16x2x1024xf32>
    %broadcast_in_dim3A_959 = vector.shape_cast %eq3A_951 : vector<16x1x1xi1> to vector<16x1x1xi1>
    %broadcast_in_dim3A_960 = vector.broadcast %broadcast_in_dim3A_959 : vector<16x1x1xi1> to vector<16x2x1024xi1>
    %select_n3A_961 = arith.select %broadcast_in_dim3A_960, %max3A_957, %min3A_958 : vector<16x2x1024xi1>, vector<16x2x1024xf32>
    %broadcast_in_dim3A_962 = vector.shape_cast %eq3A_951 : vector<16x1x1xi1> to vector<16x1x1xi1>
    %broadcast_in_dim3A_963 = vector.broadcast %broadcast_in_dim3A_962 : vector<16x1x1xi1> to vector<16x2x1024xi1>
    %select_n3A_964 = arith.select %broadcast_in_dim3A_963, %min3A_958, %max3A_957 : vector<16x2x1024xi1>, vector<16x2x1024xf32>
    %stack3A_965 = vector.shape_cast %select_n3A_961 : vector<16x2x1024xf32> to vector<16x1x2x1024xf32>
    %stack3A_966 = vector.shape_cast %select_n3A_964 : vector<16x2x1024xf32> to vector<16x1x2x1024xf32>
    %stack3A_967 = tpu.concatenate %stack3A_965, %stack3A_966 in 1 : vector<16x1x2x1024xf32>, vector<16x1x2x1024xf32> -> vector<16x2x2x1024xf32>
    %reshape3A_968 = vector.shape_cast %stack3A_967 : vector<16x2x2x1024xf32> to vector<64x1024xf32>
    %iota3A_969 = tpu.iota {dimensions = array<i32: 0>} : vector<32x1x1xi32>
    %mul3A_970 = arith.constant 2 : i32
    %mul3A_971 = vector.broadcast %mul3A_970 : i32 to vector<32x1x1xi32>
    %mul3A_972 = arith.muli %iota3A_969, %mul3A_971 : vector<32x1x1xi32>
    %shift_right_arithmetic3A_973 = arith.constant 4 : i32
    %shift_right_arithmetic3A_974 = vector.broadcast %shift_right_arithmetic3A_973 : i32 to vector<32x1x1xi32>
    %shift_right_arithmetic3A_975 = arith.shrsi %mul3A_972, %shift_right_arithmetic3A_974 : vector<32x1x1xi32>
    %jit3A_976 = arith.constant 2 : i32
    %eq3A_977 = arith.constant 0 : i32
    %eq3A_978 = arith.cmpi eq, %jit3A_976, %eq3A_977 : i32
    %jit3A_979 = arith.constant 1 : i32
    %select_n3A_980 = arith.select %eq3A_978, %jit3A_979, %jit3A_976 : i32
    %rem3A_981 = vector.broadcast %select_n3A_980 : i32 to vector<32x1x1xi32>
    %rem3A_982 = arith.remsi %shift_right_arithmetic3A_975, %rem3A_981 : vector<32x1x1xi32>
    %ne3A_983 = arith.constant 0 : i32
    %ne3A_984 = vector.broadcast %ne3A_983 : i32 to vector<32x1x1xi32>
    %ne3A_985 = arith.cmpi ne, %rem3A_982, %ne3A_984 : vector<32x1x1xi32>
    %lt3A_986 = arith.constant 0 : i32
    %lt3A_987 = vector.broadcast %lt3A_986 : i32 to vector<32x1x1xi32>
    %lt3A_988 = arith.cmpi slt, %rem3A_982, %lt3A_987 : vector<32x1x1xi32>
    %lt3A_989 = arith.constant 0 : i32
    %lt3A_990 = arith.cmpi slt, %select_n3A_980, %lt3A_989 : i32
    %ne3A_991 = vector.broadcast %lt3A_990 : i1 to vector<32x1x1xi1>
    %ne3A_992 = vector.broadcast %ne3A_991 : vector<32x1x1xi1> to vector<32x1x1xi1>
    %ne3A_993 = arith.xori %lt3A_988, %ne3A_992 : vector<32x1x1xi1>
    %and3A_994 = arith.andi %ne3A_993, %ne3A_985 : vector<32x1x1xi1>
    %add3A_995 = vector.broadcast %select_n3A_980 : i32 to vector<32x1x1xi32>
    %add3A_996 = arith.addi %rem3A_982, %add3A_995 : vector<32x1x1xi32>
    %select_n3A_997 = arith.select %and3A_994, %add3A_996, %rem3A_982 : vector<32x1x1xi1>, vector<32x1x1xi32>
    %eq3A_998 = arith.constant 0 : i32
    %eq3A_999 = vector.broadcast %eq3A_998 : i32 to vector<32x1x1xi32>
    %eq3A_1000 = arith.cmpi eq, %select_n3A_997, %eq3A_999 : vector<32x1x1xi32>
    %reshape3A_1001 = vector.shape_cast %reshape3A_968 : vector<64x1024xf32> to vector<32x2x1x1024xf32>
    %slice3A_1002 = vector.extract_strided_slice %reshape3A_1001 {offsets = [0, 0, 0, 0], sizes = [32, 1, 1, 1024], strides = [1, 1, 1, 1]} : vector<32x2x1x1024xf32> to vector<32x1x1x1024xf32>
    %squeeze3A_1003 = vector.shape_cast %slice3A_1002 : vector<32x1x1x1024xf32> to vector<32x1x1024xf32>
    %slice3A_1004 = vector.extract_strided_slice %reshape3A_1001 {offsets = [0, 1, 0, 0], sizes = [32, 1, 1, 1024], strides = [1, 1, 1, 1]} : vector<32x2x1x1024xf32> to vector<32x1x1x1024xf32>
    %squeeze3A_1005 = vector.shape_cast %slice3A_1004 : vector<32x1x1x1024xf32> to vector<32x1x1024xf32>
    %max3A_1006 = arith.maximumf %squeeze3A_1003, %squeeze3A_1005 : vector<32x1x1024xf32>
    %min3A_1007 = arith.minimumf %squeeze3A_1003, %squeeze3A_1005 : vector<32x1x1024xf32>
    %broadcast_in_dim3A_1008 = vector.shape_cast %eq3A_1000 : vector<32x1x1xi1> to vector<32x1x1xi1>
    %broadcast_in_dim3A_1009 = vector.broadcast %broadcast_in_dim3A_1008 : vector<32x1x1xi1> to vector<32x1x1024xi1>
    %select_n3A_1010 = arith.select %broadcast_in_dim3A_1009, %max3A_1006, %min3A_1007 : vector<32x1x1024xi1>, vector<32x1x1024xf32>
    %broadcast_in_dim3A_1011 = vector.shape_cast %eq3A_1000 : vector<32x1x1xi1> to vector<32x1x1xi1>
    %broadcast_in_dim3A_1012 = vector.broadcast %broadcast_in_dim3A_1011 : vector<32x1x1xi1> to vector<32x1x1024xi1>
    %select_n3A_1013 = arith.select %broadcast_in_dim3A_1012, %min3A_1007, %max3A_1006 : vector<32x1x1024xi1>, vector<32x1x1024xf32>
    %stack3A_1014 = vector.shape_cast %select_n3A_1010 : vector<32x1x1024xf32> to vector<32x1x1x1024xf32>
    %stack3A_1015 = vector.shape_cast %select_n3A_1013 : vector<32x1x1024xf32> to vector<32x1x1x1024xf32>
    %stack3A_1016 = tpu.concatenate %stack3A_1014, %stack3A_1015 in 1 : vector<32x1x1x1024xf32>, vector<32x1x1x1024xf32> -> vector<32x2x1x1024xf32>
    %reshape3A_1017 = vector.shape_cast %stack3A_1016 : vector<32x2x1x1024xf32> to vector<64x1024xf32>
    %reshape3A_1018 = vector.shape_cast %reshape3A_1017 : vector<64x1024xf32> to vector<2x2x16x1024xf32>
    %slice3A_1019 = vector.extract_strided_slice %reshape3A_1018 {offsets = [0, 0, 0, 0], sizes = [2, 1, 16, 1024], strides = [1, 1, 1, 1]} : vector<2x2x16x1024xf32> to vector<2x1x16x1024xf32>
    %squeeze3A_1020 = vector.shape_cast %slice3A_1019 : vector<2x1x16x1024xf32> to vector<2x16x1024xf32>
    %slice3A_1021 = vector.extract_strided_slice %reshape3A_1018 {offsets = [0, 1, 0, 0], sizes = [2, 1, 16, 1024], strides = [1, 1, 1, 1]} : vector<2x2x16x1024xf32> to vector<2x1x16x1024xf32>
    %squeeze3A_1022 = vector.shape_cast %slice3A_1021 : vector<2x1x16x1024xf32> to vector<2x16x1024xf32>
    %max3A_1023 = arith.maximumf %squeeze3A_1020, %squeeze3A_1022 : vector<2x16x1024xf32>
    %reshape3A_1024 = vector.shape_cast %max3A_1023 : vector<2x16x1024xf32> to vector<32x1024xf32>
    %iota3A_1025 = tpu.iota {dimensions = array<i32: 0>} : vector<2x1x1xi32>
    %mul3A_1026 = arith.constant 16 : i32
    %mul3A_1027 = vector.broadcast %mul3A_1026 : i32 to vector<2x1x1xi32>
    %mul3A_1028 = arith.muli %iota3A_1025, %mul3A_1027 : vector<2x1x1xi32>
    %shift_right_arithmetic3A_1029 = arith.constant 4 : i32
    %shift_right_arithmetic3A_1030 = vector.broadcast %shift_right_arithmetic3A_1029 : i32 to vector<2x1x1xi32>
    %shift_right_arithmetic3A_1031 = arith.shrsi %mul3A_1028, %shift_right_arithmetic3A_1030 : vector<2x1x1xi32>
    %jit3A_1032 = arith.constant 2 : i32
    %eq3A_1033 = arith.constant 0 : i32
    %eq3A_1034 = arith.cmpi eq, %jit3A_1032, %eq3A_1033 : i32
    %jit3A_1035 = arith.constant 1 : i32
    %select_n3A_1036 = arith.select %eq3A_1034, %jit3A_1035, %jit3A_1032 : i32
    %rem3A_1037 = vector.broadcast %select_n3A_1036 : i32 to vector<2x1x1xi32>
    %rem3A_1038 = arith.remsi %shift_right_arithmetic3A_1031, %rem3A_1037 : vector<2x1x1xi32>
    %ne3A_1039 = arith.constant 0 : i32
    %ne3A_1040 = vector.broadcast %ne3A_1039 : i32 to vector<2x1x1xi32>
    %ne3A_1041 = arith.cmpi ne, %rem3A_1038, %ne3A_1040 : vector<2x1x1xi32>
    %lt3A_1042 = arith.constant 0 : i32
    %lt3A_1043 = vector.broadcast %lt3A_1042 : i32 to vector<2x1x1xi32>
    %lt3A_1044 = arith.cmpi slt, %rem3A_1038, %lt3A_1043 : vector<2x1x1xi32>
    %lt3A_1045 = arith.constant 0 : i32
    %lt3A_1046 = arith.cmpi slt, %select_n3A_1036, %lt3A_1045 : i32
    %ne3A_1047 = vector.broadcast %lt3A_1046 : i1 to vector<2x1x1xi1>
    %ne3A_1048 = vector.broadcast %ne3A_1047 : vector<2x1x1xi1> to vector<2x1x1xi1>
    %ne3A_1049 = arith.xori %lt3A_1044, %ne3A_1048 : vector<2x1x1xi1>
    %and3A_1050 = arith.andi %ne3A_1049, %ne3A_1041 : vector<2x1x1xi1>
    %add3A_1051 = vector.broadcast %select_n3A_1036 : i32 to vector<2x1x1xi32>
    %add3A_1052 = arith.addi %rem3A_1038, %add3A_1051 : vector<2x1x1xi32>
    %select_n3A_1053 = arith.select %and3A_1050, %add3A_1052, %rem3A_1038 : vector<2x1x1xi1>, vector<2x1x1xi32>
    %eq3A_1054 = arith.constant 0 : i32
    %eq3A_1055 = vector.broadcast %eq3A_1054 : i32 to vector<2x1x1xi32>
    %eq3A_1056 = arith.cmpi eq, %select_n3A_1053, %eq3A_1055 : vector<2x1x1xi32>
    %reshape3A_1057 = vector.shape_cast %reshape3A_1024 : vector<32x1024xf32> to vector<2x2x8x1024xf32>
    %slice3A_1058 = vector.extract_strided_slice %reshape3A_1057 {offsets = [0, 0, 0, 0], sizes = [2, 1, 8, 1024], strides = [1, 1, 1, 1]} : vector<2x2x8x1024xf32> to vector<2x1x8x1024xf32>
    %squeeze3A_1059 = vector.shape_cast %slice3A_1058 : vector<2x1x8x1024xf32> to vector<2x8x1024xf32>
    %slice3A_1060 = vector.extract_strided_slice %reshape3A_1057 {offsets = [0, 1, 0, 0], sizes = [2, 1, 8, 1024], strides = [1, 1, 1, 1]} : vector<2x2x8x1024xf32> to vector<2x1x8x1024xf32>
    %squeeze3A_1061 = vector.shape_cast %slice3A_1060 : vector<2x1x8x1024xf32> to vector<2x8x1024xf32>
    %max3A_1062 = arith.maximumf %squeeze3A_1059, %squeeze3A_1061 : vector<2x8x1024xf32>
    %min3A_1063 = arith.minimumf %squeeze3A_1059, %squeeze3A_1061 : vector<2x8x1024xf32>
    %broadcast_in_dim3A_1064 = vector.shape_cast %eq3A_1056 : vector<2x1x1xi1> to vector<2x1x1xi1>
    %broadcast_in_dim3A_1065 = vector.broadcast %broadcast_in_dim3A_1064 : vector<2x1x1xi1> to vector<2x8x1024xi1>
    %select_n3A_1066 = arith.select %broadcast_in_dim3A_1065, %max3A_1062, %min3A_1063 : vector<2x8x1024xi1>, vector<2x8x1024xf32>
    %broadcast_in_dim3A_1067 = vector.shape_cast %eq3A_1056 : vector<2x1x1xi1> to vector<2x1x1xi1>
    %broadcast_in_dim3A_1068 = vector.broadcast %broadcast_in_dim3A_1067 : vector<2x1x1xi1> to vector<2x8x1024xi1>
    %select_n3A_1069 = arith.select %broadcast_in_dim3A_1068, %min3A_1063, %max3A_1062 : vector<2x8x1024xi1>, vector<2x8x1024xf32>
    %stack3A_1070 = vector.shape_cast %select_n3A_1066 : vector<2x8x1024xf32> to vector<2x1x8x1024xf32>
    %stack3A_1071 = vector.shape_cast %select_n3A_1069 : vector<2x8x1024xf32> to vector<2x1x8x1024xf32>
    %stack3A_1072 = tpu.concatenate %stack3A_1070, %stack3A_1071 in 1 : vector<2x1x8x1024xf32>, vector<2x1x8x1024xf32> -> vector<2x2x8x1024xf32>
    %reshape3A_1073 = vector.shape_cast %stack3A_1072 : vector<2x2x8x1024xf32> to vector<32x1024xf32>
    %iota3A_1074 = tpu.iota {dimensions = array<i32: 0>} : vector<4x1x1xi32>
    %mul3A_1075 = arith.constant 8 : i32
    %mul3A_1076 = vector.broadcast %mul3A_1075 : i32 to vector<4x1x1xi32>
    %mul3A_1077 = arith.muli %iota3A_1074, %mul3A_1076 : vector<4x1x1xi32>
    %shift_right_arithmetic3A_1078 = arith.constant 4 : i32
    %shift_right_arithmetic3A_1079 = vector.broadcast %shift_right_arithmetic3A_1078 : i32 to vector<4x1x1xi32>
    %shift_right_arithmetic3A_1080 = arith.shrsi %mul3A_1077, %shift_right_arithmetic3A_1079 : vector<4x1x1xi32>
    %jit3A_1081 = arith.constant 2 : i32
    %eq3A_1082 = arith.constant 0 : i32
    %eq3A_1083 = arith.cmpi eq, %jit3A_1081, %eq3A_1082 : i32
    %jit3A_1084 = arith.constant 1 : i32
    %select_n3A_1085 = arith.select %eq3A_1083, %jit3A_1084, %jit3A_1081 : i32
    %rem3A_1086 = vector.broadcast %select_n3A_1085 : i32 to vector<4x1x1xi32>
    %rem3A_1087 = arith.remsi %shift_right_arithmetic3A_1080, %rem3A_1086 : vector<4x1x1xi32>
    %ne3A_1088 = arith.constant 0 : i32
    %ne3A_1089 = vector.broadcast %ne3A_1088 : i32 to vector<4x1x1xi32>
    %ne3A_1090 = arith.cmpi ne, %rem3A_1087, %ne3A_1089 : vector<4x1x1xi32>
    %lt3A_1091 = arith.constant 0 : i32
    %lt3A_1092 = vector.broadcast %lt3A_1091 : i32 to vector<4x1x1xi32>
    %lt3A_1093 = arith.cmpi slt, %rem3A_1087, %lt3A_1092 : vector<4x1x1xi32>
    %lt3A_1094 = arith.constant 0 : i32
    %lt3A_1095 = arith.cmpi slt, %select_n3A_1085, %lt3A_1094 : i32
    %ne3A_1096 = vector.broadcast %lt3A_1095 : i1 to vector<4x1x1xi1>
    %ne3A_1097 = vector.broadcast %ne3A_1096 : vector<4x1x1xi1> to vector<4x1x1xi1>
    %ne3A_1098 = arith.xori %lt3A_1093, %ne3A_1097 : vector<4x1x1xi1>
    %and3A_1099 = arith.andi %ne3A_1098, %ne3A_1090 : vector<4x1x1xi1>
    %add3A_1100 = vector.broadcast %select_n3A_1085 : i32 to vector<4x1x1xi32>
    %add3A_1101 = arith.addi %rem3A_1087, %add3A_1100 : vector<4x1x1xi32>
    %select_n3A_1102 = arith.select %and3A_1099, %add3A_1101, %rem3A_1087 : vector<4x1x1xi1>, vector<4x1x1xi32>
    %eq3A_1103 = arith.constant 0 : i32
    %eq3A_1104 = vector.broadcast %eq3A_1103 : i32 to vector<4x1x1xi32>
    %eq3A_1105 = arith.cmpi eq, %select_n3A_1102, %eq3A_1104 : vector<4x1x1xi32>
    %reshape3A_1106 = vector.shape_cast %reshape3A_1073 : vector<32x1024xf32> to vector<4x2x4x1024xf32>
    %slice3A_1107 = vector.extract_strided_slice %reshape3A_1106 {offsets = [0, 0, 0, 0], sizes = [4, 1, 4, 1024], strides = [1, 1, 1, 1]} : vector<4x2x4x1024xf32> to vector<4x1x4x1024xf32>
    %squeeze3A_1108 = vector.shape_cast %slice3A_1107 : vector<4x1x4x1024xf32> to vector<4x4x1024xf32>
    %slice3A_1109 = vector.extract_strided_slice %reshape3A_1106 {offsets = [0, 1, 0, 0], sizes = [4, 1, 4, 1024], strides = [1, 1, 1, 1]} : vector<4x2x4x1024xf32> to vector<4x1x4x1024xf32>
    %squeeze3A_1110 = vector.shape_cast %slice3A_1109 : vector<4x1x4x1024xf32> to vector<4x4x1024xf32>
    %max3A_1111 = arith.maximumf %squeeze3A_1108, %squeeze3A_1110 : vector<4x4x1024xf32>
    %min3A_1112 = arith.minimumf %squeeze3A_1108, %squeeze3A_1110 : vector<4x4x1024xf32>
    %broadcast_in_dim3A_1113 = vector.shape_cast %eq3A_1105 : vector<4x1x1xi1> to vector<4x1x1xi1>
    %broadcast_in_dim3A_1114 = vector.broadcast %broadcast_in_dim3A_1113 : vector<4x1x1xi1> to vector<4x4x1024xi1>
    %select_n3A_1115 = arith.select %broadcast_in_dim3A_1114, %max3A_1111, %min3A_1112 : vector<4x4x1024xi1>, vector<4x4x1024xf32>
    %broadcast_in_dim3A_1116 = vector.shape_cast %eq3A_1105 : vector<4x1x1xi1> to vector<4x1x1xi1>
    %broadcast_in_dim3A_1117 = vector.broadcast %broadcast_in_dim3A_1116 : vector<4x1x1xi1> to vector<4x4x1024xi1>
    %select_n3A_1118 = arith.select %broadcast_in_dim3A_1117, %min3A_1112, %max3A_1111 : vector<4x4x1024xi1>, vector<4x4x1024xf32>
    %stack3A_1119 = vector.shape_cast %select_n3A_1115 : vector<4x4x1024xf32> to vector<4x1x4x1024xf32>
    %stack3A_1120 = vector.shape_cast %select_n3A_1118 : vector<4x4x1024xf32> to vector<4x1x4x1024xf32>
    %stack3A_1121 = tpu.concatenate %stack3A_1119, %stack3A_1120 in 1 : vector<4x1x4x1024xf32>, vector<4x1x4x1024xf32> -> vector<4x2x4x1024xf32>
    %reshape3A_1122 = vector.shape_cast %stack3A_1121 : vector<4x2x4x1024xf32> to vector<32x1024xf32>
    %iota3A_1123 = tpu.iota {dimensions = array<i32: 0>} : vector<8x1x1xi32>
    %mul3A_1124 = arith.constant 4 : i32
    %mul3A_1125 = vector.broadcast %mul3A_1124 : i32 to vector<8x1x1xi32>
    %mul3A_1126 = arith.muli %iota3A_1123, %mul3A_1125 : vector<8x1x1xi32>
    %shift_right_arithmetic3A_1127 = arith.constant 4 : i32
    %shift_right_arithmetic3A_1128 = vector.broadcast %shift_right_arithmetic3A_1127 : i32 to vector<8x1x1xi32>
    %shift_right_arithmetic3A_1129 = arith.shrsi %mul3A_1126, %shift_right_arithmetic3A_1128 : vector<8x1x1xi32>
    %jit3A_1130 = arith.constant 2 : i32
    %eq3A_1131 = arith.constant 0 : i32
    %eq3A_1132 = arith.cmpi eq, %jit3A_1130, %eq3A_1131 : i32
    %jit3A_1133 = arith.constant 1 : i32
    %select_n3A_1134 = arith.select %eq3A_1132, %jit3A_1133, %jit3A_1130 : i32
    %rem3A_1135 = vector.broadcast %select_n3A_1134 : i32 to vector<8x1x1xi32>
    %rem3A_1136 = arith.remsi %shift_right_arithmetic3A_1129, %rem3A_1135 : vector<8x1x1xi32>
    %ne3A_1137 = arith.constant 0 : i32
    %ne3A_1138 = vector.broadcast %ne3A_1137 : i32 to vector<8x1x1xi32>
    %ne3A_1139 = arith.cmpi ne, %rem3A_1136, %ne3A_1138 : vector<8x1x1xi32>
    %lt3A_1140 = arith.constant 0 : i32
    %lt3A_1141 = vector.broadcast %lt3A_1140 : i32 to vector<8x1x1xi32>
    %lt3A_1142 = arith.cmpi slt, %rem3A_1136, %lt3A_1141 : vector<8x1x1xi32>
    %lt3A_1143 = arith.constant 0 : i32
    %lt3A_1144 = arith.cmpi slt, %select_n3A_1134, %lt3A_1143 : i32
    %ne3A_1145 = vector.broadcast %lt3A_1144 : i1 to vector<8x1x1xi1>
    %ne3A_1146 = vector.broadcast %ne3A_1145 : vector<8x1x1xi1> to vector<8x1x1xi1>
    %ne3A_1147 = arith.xori %lt3A_1142, %ne3A_1146 : vector<8x1x1xi1>
    %and3A_1148 = arith.andi %ne3A_1147, %ne3A_1139 : vector<8x1x1xi1>
    %add3A_1149 = vector.broadcast %select_n3A_1134 : i32 to vector<8x1x1xi32>
    %add3A_1150 = arith.addi %rem3A_1136, %add3A_1149 : vector<8x1x1xi32>
    %select_n3A_1151 = arith.select %and3A_1148, %add3A_1150, %rem3A_1136 : vector<8x1x1xi1>, vector<8x1x1xi32>
    %eq3A_1152 = arith.constant 0 : i32
    %eq3A_1153 = vector.broadcast %eq3A_1152 : i32 to vector<8x1x1xi32>
    %eq3A_1154 = arith.cmpi eq, %select_n3A_1151, %eq3A_1153 : vector<8x1x1xi32>
    %reshape3A_1155 = vector.shape_cast %reshape3A_1122 : vector<32x1024xf32> to vector<8x2x2x1024xf32>
    %slice3A_1156 = vector.extract_strided_slice %reshape3A_1155 {offsets = [0, 0, 0, 0], sizes = [8, 1, 2, 1024], strides = [1, 1, 1, 1]} : vector<8x2x2x1024xf32> to vector<8x1x2x1024xf32>
    %squeeze3A_1157 = vector.shape_cast %slice3A_1156 : vector<8x1x2x1024xf32> to vector<8x2x1024xf32>
    %slice3A_1158 = vector.extract_strided_slice %reshape3A_1155 {offsets = [0, 1, 0, 0], sizes = [8, 1, 2, 1024], strides = [1, 1, 1, 1]} : vector<8x2x2x1024xf32> to vector<8x1x2x1024xf32>
    %squeeze3A_1159 = vector.shape_cast %slice3A_1158 : vector<8x1x2x1024xf32> to vector<8x2x1024xf32>
    %max3A_1160 = arith.maximumf %squeeze3A_1157, %squeeze3A_1159 : vector<8x2x1024xf32>
    %min3A_1161 = arith.minimumf %squeeze3A_1157, %squeeze3A_1159 : vector<8x2x1024xf32>
    %broadcast_in_dim3A_1162 = vector.shape_cast %eq3A_1154 : vector<8x1x1xi1> to vector<8x1x1xi1>
    %broadcast_in_dim3A_1163 = vector.broadcast %broadcast_in_dim3A_1162 : vector<8x1x1xi1> to vector<8x2x1024xi1>
    %select_n3A_1164 = arith.select %broadcast_in_dim3A_1163, %max3A_1160, %min3A_1161 : vector<8x2x1024xi1>, vector<8x2x1024xf32>
    %broadcast_in_dim3A_1165 = vector.shape_cast %eq3A_1154 : vector<8x1x1xi1> to vector<8x1x1xi1>
    %broadcast_in_dim3A_1166 = vector.broadcast %broadcast_in_dim3A_1165 : vector<8x1x1xi1> to vector<8x2x1024xi1>
    %select_n3A_1167 = arith.select %broadcast_in_dim3A_1166, %min3A_1161, %max3A_1160 : vector<8x2x1024xi1>, vector<8x2x1024xf32>
    %stack3A_1168 = vector.shape_cast %select_n3A_1164 : vector<8x2x1024xf32> to vector<8x1x2x1024xf32>
    %stack3A_1169 = vector.shape_cast %select_n3A_1167 : vector<8x2x1024xf32> to vector<8x1x2x1024xf32>
    %stack3A_1170 = tpu.concatenate %stack3A_1168, %stack3A_1169 in 1 : vector<8x1x2x1024xf32>, vector<8x1x2x1024xf32> -> vector<8x2x2x1024xf32>
    %reshape3A_1171 = vector.shape_cast %stack3A_1170 : vector<8x2x2x1024xf32> to vector<32x1024xf32>
    %iota3A_1172 = tpu.iota {dimensions = array<i32: 0>} : vector<16x1x1xi32>
    %mul3A_1173 = arith.constant 2 : i32
    %mul3A_1174 = vector.broadcast %mul3A_1173 : i32 to vector<16x1x1xi32>
    %mul3A_1175 = arith.muli %iota3A_1172, %mul3A_1174 : vector<16x1x1xi32>
    %shift_right_arithmetic3A_1176 = arith.constant 4 : i32
    %shift_right_arithmetic3A_1177 = vector.broadcast %shift_right_arithmetic3A_1176 : i32 to vector<16x1x1xi32>
    %shift_right_arithmetic3A_1178 = arith.shrsi %mul3A_1175, %shift_right_arithmetic3A_1177 : vector<16x1x1xi32>
    %jit3A_1179 = arith.constant 2 : i32
    %eq3A_1180 = arith.constant 0 : i32
    %eq3A_1181 = arith.cmpi eq, %jit3A_1179, %eq3A_1180 : i32
    %jit3A_1182 = arith.constant 1 : i32
    %select_n3A_1183 = arith.select %eq3A_1181, %jit3A_1182, %jit3A_1179 : i32
    %rem3A_1184 = vector.broadcast %select_n3A_1183 : i32 to vector<16x1x1xi32>
    %rem3A_1185 = arith.remsi %shift_right_arithmetic3A_1178, %rem3A_1184 : vector<16x1x1xi32>
    %ne3A_1186 = arith.constant 0 : i32
    %ne3A_1187 = vector.broadcast %ne3A_1186 : i32 to vector<16x1x1xi32>
    %ne3A_1188 = arith.cmpi ne, %rem3A_1185, %ne3A_1187 : vector<16x1x1xi32>
    %lt3A_1189 = arith.constant 0 : i32
    %lt3A_1190 = vector.broadcast %lt3A_1189 : i32 to vector<16x1x1xi32>
    %lt3A_1191 = arith.cmpi slt, %rem3A_1185, %lt3A_1190 : vector<16x1x1xi32>
    %lt3A_1192 = arith.constant 0 : i32
    %lt3A_1193 = arith.cmpi slt, %select_n3A_1183, %lt3A_1192 : i32
    %ne3A_1194 = vector.broadcast %lt3A_1193 : i1 to vector<16x1x1xi1>
    %ne3A_1195 = vector.broadcast %ne3A_1194 : vector<16x1x1xi1> to vector<16x1x1xi1>
    %ne3A_1196 = arith.xori %lt3A_1191, %ne3A_1195 : vector<16x1x1xi1>
    %and3A_1197 = arith.andi %ne3A_1196, %ne3A_1188 : vector<16x1x1xi1>
    %add3A_1198 = vector.broadcast %select_n3A_1183 : i32 to vector<16x1x1xi32>
    %add3A_1199 = arith.addi %rem3A_1185, %add3A_1198 : vector<16x1x1xi32>
    %select_n3A_1200 = arith.select %and3A_1197, %add3A_1199, %rem3A_1185 : vector<16x1x1xi1>, vector<16x1x1xi32>
    %eq3A_1201 = arith.constant 0 : i32
    %eq3A_1202 = vector.broadcast %eq3A_1201 : i32 to vector<16x1x1xi32>
    %eq3A_1203 = arith.cmpi eq, %select_n3A_1200, %eq3A_1202 : vector<16x1x1xi32>
    %reshape3A_1204 = vector.shape_cast %reshape3A_1171 : vector<32x1024xf32> to vector<16x2x1x1024xf32>
    %slice3A_1205 = vector.extract_strided_slice %reshape3A_1204 {offsets = [0, 0, 0, 0], sizes = [16, 1, 1, 1024], strides = [1, 1, 1, 1]} : vector<16x2x1x1024xf32> to vector<16x1x1x1024xf32>
    %squeeze3A_1206 = vector.shape_cast %slice3A_1205 : vector<16x1x1x1024xf32> to vector<16x1x1024xf32>
    %slice3A_1207 = vector.extract_strided_slice %reshape3A_1204 {offsets = [0, 1, 0, 0], sizes = [16, 1, 1, 1024], strides = [1, 1, 1, 1]} : vector<16x2x1x1024xf32> to vector<16x1x1x1024xf32>
    %squeeze3A_1208 = vector.shape_cast %slice3A_1207 : vector<16x1x1x1024xf32> to vector<16x1x1024xf32>
    %max3A_1209 = arith.maximumf %squeeze3A_1206, %squeeze3A_1208 : vector<16x1x1024xf32>
    %min3A_1210 = arith.minimumf %squeeze3A_1206, %squeeze3A_1208 : vector<16x1x1024xf32>
    %broadcast_in_dim3A_1211 = vector.shape_cast %eq3A_1203 : vector<16x1x1xi1> to vector<16x1x1xi1>
    %broadcast_in_dim3A_1212 = vector.broadcast %broadcast_in_dim3A_1211 : vector<16x1x1xi1> to vector<16x1x1024xi1>
    %select_n3A_1213 = arith.select %broadcast_in_dim3A_1212, %max3A_1209, %min3A_1210 : vector<16x1x1024xi1>, vector<16x1x1024xf32>
    %broadcast_in_dim3A_1214 = vector.shape_cast %eq3A_1203 : vector<16x1x1xi1> to vector<16x1x1xi1>
    %broadcast_in_dim3A_1215 = vector.broadcast %broadcast_in_dim3A_1214 : vector<16x1x1xi1> to vector<16x1x1024xi1>
    %select_n3A_1216 = arith.select %broadcast_in_dim3A_1215, %min3A_1210, %max3A_1209 : vector<16x1x1024xi1>, vector<16x1x1024xf32>
    %stack3A_1217 = vector.shape_cast %select_n3A_1213 : vector<16x1x1024xf32> to vector<16x1x1x1024xf32>
    %stack3A_1218 = vector.shape_cast %select_n3A_1216 : vector<16x1x1024xf32> to vector<16x1x1x1024xf32>
    %stack3A_1219 = tpu.concatenate %stack3A_1217, %stack3A_1218 in 1 : vector<16x1x1x1024xf32>, vector<16x1x1x1024xf32> -> vector<16x2x1x1024xf32>
    %reshape3A_1220 = vector.shape_cast %stack3A_1219 : vector<16x2x1x1024xf32> to vector<32x1024xf32>
    %reshape3A_1221 = vector.shape_cast %reshape3A_1220 : vector<32x1024xf32> to vector<1x2x16x1024xf32>
    %slice3A_1222 = vector.extract_strided_slice %reshape3A_1221 {offsets = [0, 0, 0, 0], sizes = [1, 1, 16, 1024], strides = [1, 1, 1, 1]} : vector<1x2x16x1024xf32> to vector<1x1x16x1024xf32>
    %squeeze3A_1223 = vector.shape_cast %slice3A_1222 : vector<1x1x16x1024xf32> to vector<1x16x1024xf32>
    %slice3A_1224 = vector.extract_strided_slice %reshape3A_1221 {offsets = [0, 1, 0, 0], sizes = [1, 1, 16, 1024], strides = [1, 1, 1, 1]} : vector<1x2x16x1024xf32> to vector<1x1x16x1024xf32>
    %squeeze3A_1225 = vector.shape_cast %slice3A_1224 : vector<1x1x16x1024xf32> to vector<1x16x1024xf32>
    %max3A_1226 = arith.maximumf %squeeze3A_1223, %squeeze3A_1225 : vector<1x16x1024xf32>
    %reshape3A_1227 = vector.shape_cast %max3A_1226 : vector<1x16x1024xf32> to vector<16x1024xf32>
    %bitcast_convert_type3A_1228 = tpu.bitcast %reshape3A_1227 : vector<16x1024xf32> -> vector<16x1024xi32>
    %and3A_1229 = arith.constant 127 : i32
    %and3A_1230 = vector.broadcast %and3A_1229 : i32 to vector<16x1024xi32>
    %and3A_1231 = arith.andi %bitcast_convert_type3A_1228, %and3A_1230 : vector<16x1024xi32>
    %sub3A_1232 = arith.constant 127 : i32
    %sub3A_1233 = vector.broadcast %sub3A_1232 : i32 to vector<16x1024xi32>
    %sub3A_1234 = arith.subi %sub3A_1233, %and3A_1231 : vector<16x1024xi32>
    %transpose3A_1235 = tpu.transpose %sub3A_1234, [1, 0] : vector<16x1024xi32> -> vector<1024x16xi32>
    %swap3A_1236 = arith.constant 0 : index
    %swap3A_1237 = arith.constant 0 : index
    %swap3A_1238 = arith.constant 0 : index
    %swap3A_1239 = vector.load %arg3[%swap3A_1236, %swap3A_1237, %swap3A_1238] : memref<1x1024x16xi32, #tpu.memory_space<vmem>>, vector<1x1024x16xi32>
    %swap3A_1240 = vector.shape_cast %swap3A_1239 : vector<1x1024x16xi32> to vector<1024x16xi32>
    %swap3A_1241 = vector.shape_cast %transpose3A_1235 : vector<1024x16xi32> to vector<1x1024x16xi32>
    tpu.vector_store %arg3[%swap3A_1236, %swap3A_1237, %swap3A_1238], %swap3A_1241 {strides = array<i32>} : memref<1x1024x16xi32, #tpu.memory_space<vmem>>, vector<1x1024x16xi32>,
    return
  }
  func.func @transform_0(%arg0: i32) -> (i32, i32, i32) {
    %c0_i32 = arith.constant 0 : i32
    %c0_i32_0 = arith.constant 0 : i32
    %c0_i32_1 = arith.constant 0 : i32
    return %arg0, %c0_i32, %c0_i32_0 : i32, i32, i32
  }
  func.func @transform_1(%arg0: i32) -> (i32, i32, i32) {
    %c0_i32 = arith.constant 0 : i32
    %c0_i32_0 = arith.constant 0 : i32
    %c0_i32_1 = arith.constant 0 : i32
    return %arg0, %c0_i32, %c0_i32_0 : i32, i32, i32
  }
  func.func @transform_2(%arg0: i32) -> (i32, i32, i32) {
    %c0_i32 = arith.constant 0 : i32
    %c0_i32_0 = arith.constant 0 : i32
    %c0_i32_1 = arith.constant 0 : i32
    return %arg0, %c0_i32, %c0_i32_0 : i32, i32, i32
  }
}

</mosaic_0001>

<sc_bundles>
// kernel: kernel.4.cloned.1.call-start
scs
__scs_entry_jumppad:
0x0: {  	(pc) =	sbr.rel $0x88, $3  }
0x1: {  	(tag) =	ssettag $0x0;
	lr =	simm.s32 $0x1  }
0x2: {  	[smem:$0x3FA0] =	sst lr;
	_ =	strace $0xD0000000  }
0x3: {  	_ = 	snop  }
0x4: {  	_ = 	snop  }
0x5: {  	_ = 	snop  }
0x6: {  	_ = 	snop  }
0x7: {  	_ = 	snop  }
__scs_overlays_trampoline_lowered:
0x8: {  	[smem:$0x3FAF] =	sst s0  }
0x9: {  	[smem:$0x3FB0] =	sst s1  }
0xa: {  	[smem:$0x3FB1] =	sst s2  }
0xb: {  	[smem:$0x3FB2] =	sst s3  }
0xc: {  	[smem:$0x3FB3] =	sst s4  }
0xd: {  	[smem:$0x3FB4] =	sst s5  }
0xe: {  	[smem:$0x3FB5] =	sst s6  }
0xf: {  	[smem:$0x3FB6] =	sst s7  }
0x10: {  	[smem:$0x3FB7] =	sst s8  }
0x11: {  	[smem:$0x3FB8] =	sst s9;
	s0 =	simm.s32 @!p0 $0x0  }
0x12: {  	s1 =	sld [smem:$0x3F9E];
	s0 =	simm.s32 @p0 $0x1  }
0x13: {  	[smem:$0x3FB9] =	sst s0;
	s0 =	simm.s32 @!p1 $0x0  }
0x14: {  	s2 =	sld [smem:$0x3F9D];
	s0 =	simm.s32 @p1 $0x1  }
0x15: {  	[smem:$0x3FBA] =	sst s0;
	s0 =	simm.s32 @!p2 $0x0  }
0x16: {  	s3 =	sld [smem:$0x3FDB];
	s0 =	simm.s32 @p2 $0x1  }
0x17: {  	s4 =	simm.s32 $0x1BF5;
	[smem:$0x3FBC] =	sst s0  }
0x18: {  	s0 =	sld [smem:$0x3F9F];
	_ =	swait.ge [sflag:s4], $0x0  }
0x19: {  	s7 =	sld [smem:$0x3FA0]  }
0x1a: {  	s8 =	sadd.s32 $0xFFFFE003, lr  }
0x1b: {  	s9 =	sadd.s32 $0xFFFFFEF7, lr;
	s5 =	simm.s32 $0xFFFFFFFF;
	p2 =	slt.u32 s8, $0xFFFFF086  }
0x1c: {  	p1 =	slt.u32 s9, $0xF7A;
	s5 =	simm.s32 @!p2 $0x0  }
0x1d: {  	s5 =	simm.s32 @p1 $0x1;
	p0 =	seq.s32 s7, s2  }
0x1e: {  	s7 =	smul.u32 @!p0 $0xF7A, s2;
	p2 =	seq.s32 @!p0 s5, $0x0  }
0x1f: {  	s9 =	smul.u32 $0xF7A, s1;
	s8 =	simm.s32 @!p0 $0x1BF5;
	p2 =	por !p2, p0  }
0x20: {  	[sflag:s8] =	ssyncset.s32 @!p0 $0xFFFFF086;
	s6 =	sadd.s32 @!p0 s3, s7;
	s7 =	simm.s32 @!p0 $0x108  }
0x21: {  	s3 =	sadd.s32 s3, s9;
	s6 =	sadd.s32 @!p0 $0x88, s6;
	s7 =	simm.s32 @p2 $0x1082  }
0x22: {  	[simem:s7], [sflag:s8] =	dma.local @!p0 [hbm:s6], $0xF7A  }
0x23: {  	s9 =	sor.u32 $0xD0000000, s2;
	s6 =	simm.s32 $0x108;
	_ =	swait.ge @!p0 [sflag:s8], $0x0  }
0x24: {  	s3 =	sadd.s32 $0x88, s3;
	s6 =	simm.s32 @!p1 $0x1082;
	[sflag:s4] =	ssyncset.s32 $0xFFFFF086  }
0x25: {  	[simem:s6], [sflag:s4] =	dma.local [hbm:s3], $0xF7A  }
0x26: {  	[smem:$0x3FA0] =	sst s1;
	(tag) =	ssettag s2;
	_ =	strace s9  }
0x27: {  	s1 =	sld [smem:$0x3FB0]  }
0x28: {  	s2 =	sld [smem:$0x3FB1]  }
0x29: {  	s4 =	sld [smem:$0x3FB3]  }
0x2a: {  	p0 =	seq.s32 s5, $0x0;
	s5 =	sld [smem:$0x3FB4]  }
0x2b: {  	s6 =	sld [smem:$0x3FB5]  }
0x2c: {  	s7 =	sld [smem:$0x3FB6]  }
0x2d: {  	s3 =	simm.s32 $0x108;
	s8 =	sld [smem:$0x3FB7]  }
0x2e: {  	s3 =	simm.s32 @!p0 $0x1082;
	s9 =	sld [smem:$0x3FB8]  }
0x2f: {  	lr =	sadd.s32 s0, s3;
	s0 =	sld [smem:$0x3FAF]  }
0x30: {  	s3 =	sld [smem:$0x3FB2]  }
0x31: {  	[smem:$0x3FBB] =	sst s10  }
0x32: {  	s10 =	sld [smem:$0x3FB9];
	_ =	sdelay $0x3  }
0x33: {  	p0 =	seq.s32 s10, $0x1;
	s10 =	sld [smem:$0x3FBB];
	_ =	sdelay $0x3  }
0x34: {  	[smem:$0x3FBB] =	sst s10  }
0x35: {  	s10 =	sld [smem:$0x3FBA];
	_ =	sdelay $0x3  }
0x36: {  	p1 =	seq.s32 s10, $0x1;
	s10 =	sld [smem:$0x3FBB];
	_ =	sdelay $0x3  }
0x37: {  	[smem:$0x3FBB] =	sst s10  }
0x38: {  	s10 =	sld [smem:$0x3FBC]  }
0x39: {  	_ = 	snop;
	(pc) =	sbr.ind lr, $3  }
0x3a: {  	_ = 	snop  }
0x3b: {  	_ = 	snop  }
0x3c: {  	p2 =	seq.s32 s10, $0x1;
	s10 =	sld [smem:$0x3FBB]  }
0x3d: {  	_ =	shalt  }
0x3e: {  	_ =	shalt  }
0x3f: {  	_ =	shalt  }
0x40: {  	_ =	shalt  }
0x41: {  	_ =	shalt  }
0x42: {  	_ =	shalt  }
0x43: {  	_ =	shalt  }
0x44: {  	_ =	shalt  }
0x45: {  	_ =	shalt  }
0x46: {  	_ =	shalt  }
0x47: {  	_ =	shalt  }
0x48: {  	_ =	shalt  }
0x49: {  	_ =	shalt  }
0x4a: {  	_ =	shalt  }
0x4b: {  	_ =	shalt  }
0x4c: {  	_ =	shalt  }
0x4d: {  	_ =	shalt  }
0x4e: {  	_ =	shalt  }
0x4f: {  	_ =	shalt  }
0x50: {  	_ =	shalt  }
0x51: {  	_ =	shalt  }
0x52: {  	_ =	shalt  }
0x53: {  	_ =	shalt  }
0x54: {  	_ =	shalt  }
0x55: {  	_ =	shalt  }
0x56: {  	_ =	shalt  }
0x57: {  	_ =	shalt  }
0x58: {  	_ =	shalt  }
0x59: {  	_ =	shalt  }
0x5a: {  	_ =	shalt  }
0x5b: {  	_ =	shalt  }
0x5c: {  	_ =	shalt  }
0x5d: {  	_ =	shalt  }
0x5e: {  	_ =	shalt  }
0x5f: {  	_ =	shalt  }
0x60: {  	_ =	shalt  }
0x61: {  	_ =	shalt  }
0x62: {  	_ =	shalt  }
0x63: {  	_ =	shalt  }
0x64: {  	_ =	shalt  }
0x65: {  	_ =	shalt  }
0x66: {  	_ =	shalt  }
0x67: {  	_ =	shalt  }
0x68: {  	_ =	shalt  }
0x69: {  	_ =	shalt  }
0x6a: {  	_ =	shalt  }
0x6b: {  	_ =	shalt  }
0x6c: {  	_ =	shalt  }
0x6d: {  	_ =	shalt  }
0x6e: {  	_ =	shalt  }
0x6f: {  	_ =	shalt  }
0x70: {  	_ =	shalt  }
0x71: {  	_ =	shalt  }
0x72: {  	_ =	shalt  }
0x73: {  	_ =	shalt  }
0x74: {  	_ =	shalt  }
0x75: {  	_ =	shalt  }
0x76: {  	_ =	shalt  }
0x77: {  	_ =	shalt  }
0x78: {  	_ =	shalt  }
0x79: {  	_ =	shalt  }
0x7a: {  	_ =	shalt  }
0x7b: {  	_ =	shalt  }
0x7c: {  	_ =	shalt  }
0x7d: {  	_ =	shalt  }
0x7e: {  	_ =	shalt  }
0x7f: {  	_ =	shalt  }
0x80: {  	_ =	shalt  }
0x81: {  	_ =	shalt  }
0x82: {  	_ =	shalt  }
0x83: {  	_ =	shalt  }
0x84: {  	_ =	shalt  }
0x85: {  	_ =	shalt  }
0x86: {  	_ =	shalt  }
0x87: {  	_ =	shalt  }
.Lfunc_end0:
.L_simem_size_0:
called_computation_lowered:
.L_overlay_start_0:
0x88: {  	s2 =	sld [smem:$0x3FD9]  }
0x89: {  	s3 =	sld [smem:$0x3FFE];
	_ =	sdelay $0x1  }
0x8a: {  	s1 =	srdreg.scid  }
0x8b: {  	s0 =	sand.u32 $0x1, s1  }
0x8c: {  	s14 =	sshll.u32 s0, $0xA;
	s2 =	sadd.s32 s3, s2  }
0x8d: {  	s2 =	sadd.s32 s2, s14  }
0x8e: {  	[smem:$0x3FC7] =	sst s2  }
0x8f: {  	_ = 	snop  }
0x90: {  	s2 =	sld [smem:$0x3FD0];
	_ =	sdelay $0x2  }
0x91: {  	s15 =	simm.s32 $0xA;
	s4 =	simm.s32 $0x10  }
0x92: {  	[smem:s4], [sflag:s15] =	dma.local [hbm:s2], $0x1  }
0x93: {  	_ =	swait.eq [sflag:s15], $0x1  }
0x94: {  	[sflag:s15] =	ssyncset.done $0x0  }
0x95: {  	[sflag:s15] =	ssyncadd.s32 $0xFFFFFFFF  }
0x96: {  	s16 =	sld [smem:$0x13];
	(tm) =	ssettm $0x1  }
0x97: {  	s17 =	sld [smem:$0x3FFB];
	_ =	sdelay $0x3  }
0x98: {  	_ =	strace s17  }
0x99: {  	s3 =	sld [smem:$0x3FFC];
	_ =	sdelay $0x3  }
0x9a: {  	_ =	strace s3  }
0x9b: {  	s3 =	sld [smem:$0x3FFD];
	_ =	sdelay $0x3  }
0x9c: {  	_ =	strace s3  }
0x9d: {  	_ =	strace $0x8FFFFFFF  }
0x9e: {  	s18 =	sld [smem:$0x3FDB];
	_ =	sdelay $0x1  }
0x9f: {  	s19 =	simm.s32 $_scs_section_size  }
0xa0: {  	s5 =	simm.s32 $_size__tile_overlayer_lowered;
	s6 =	simm.s32 $_tile_overlayer_lowered  }
0xa1: {  	s22 =	simm.s32 $0x1BFF;
	s21 =	sshll.u32 s6, $0x1;
	s3 =	sadd.s32 s19, s18  }
0xa2: {  	s7 =	simm.s32 $0x0;
	s20 =	sshll.u32 s5, $0x1;
	s5 =	sadd.s32 s21, s3  }
0xa3: {  	[timem:s7], [sflag:s22] =	dma.local [hbm:s5], s20  }
0xa4: {  	_ =	swait.ge [sflag:s22], s20  }
0xa5: {  	s4 =	ssub.s32 $0x0, s20;
	[sflag:s22] =	ssyncset.done $0x0  }
0xa6: {  	[sflag:s22] =	ssyncadd.s32 s4;
	_ =	sdelay $0x1  }
0xa7: {  	s23 =	simm.s32 $0x1B8B  }
0xa8: {  	_ =	swait.ge [sflag:s23], $0x1  }
0xa9: {  	[sflag:s23] =	ssyncset.done $0x0  }
0xaa: {  	s25 =	simm.s32 $0x1B8E;
	s24 =	sld [smem:$0x3FFE];
	[sflag:s23] =	ssyncadd.s32 $0xFFFFFFFF  }
0xab: {  	s26 =	simm.s32 $execute0_lowered;
	[smem:$0x3FD2] =	sst s25  }
0xac: {  	s5 =	sshll.u32 s26, $0x1;
	_ =	strace $0x80000046;
	[dreg:$0x1] =	wrdreg $0xFFFFFFFF  }
0xad: {  	s28 =	simm.s32 $_size_execute0_lowered;
	s3 =	sadd.s32 s3, s5;
	[dreg:$0x0] =	wrdreg $0x0  }
0xae: {  	s5 =	sshll.u32 s28, $0x1;
	[dreg:$0x2] =	wrdreg s3  }
0xaf: {  	[dreg:$0x3] =	wrdreg s5  }
0xb0: {  	[dreg:$0x4] =	wrdreg $0xC0  }
0xb1: {  	_ =	task [dreg:s7], $0x5FFFF  }
0xb2: {  	[dreg:$0x1] =	wrdreg $0xFFFFFFFF  }
0xb3: {  	[dreg:$0x0] =	wrdreg $0x60  }
0xb4: {  	[dreg:$0x2] =	wrdreg s24  }
0xb5: {  	[dreg:$0x3] =	wrdreg s16  }
0xb6: {  	[dreg:$0x4] =	wrdreg $0x9  }
0xb7: {  	_ =	task.clear_ibuf [dreg:s7], $0x5FFFF;
	_ =	strace $0x90000046  }
0xb8: {  	s29 =	simm.s32 $0x9;
	_ =	strace $0x80000048  }
0xb9: {  	_ =	swait.ge [sflag:s29], $0x1  }
0xba: {  	[sflag:s29] =	ssyncadd.s32 $0xFFFFFFFF  }
0xbb: {  	_ =	strace $0x90000048  }
0xbc: {  	_ =	sfence  }
0xbd: {  	s30 =	sld [smem:$0x0];
	_ =	sdelay $0x2  }
0xbe: {  	s31 =	sshll.u32 s1, $0xD;
	s1 =	sshrl.u32 s1, $0x2  }
0xbf: {  	s3 =	sand.u32 $0x4000, s31;
	s1 =	sadd.s32 s1, s30  }
0xc0: {  	s0 =	sor.u32 s3, s0;
	s1 =	sshll.u32 s1, $0x11  }
0xc1: {  	s0 =	sor.u32 s1, s0  }
0xc2: {  	s0 =	sadd.s32 $0x8F2B, s0  }
0xc3: {  	[sflag:s0] =	ssyncadd.remote.s32 $0x1  }
0xc4: {  	_ =	sfence.sel $0xFFFF  }
0xc5: {  	[dreg:$0x0] =	wrdreg $0xFFFFFFFF;
	(pc) =	sbr.abs _section_cstart, $3  }
0xc6: {  	[dreg:$0x1] =	wrdreg $0xFFFFFFFF  }
0xc7: {  	_ =	task.clear_ibuf [dreg:s7], $0x2FFFF;
	_ =	strace $0x9FFFFFFF  }
0xc8: {  	(tm) =	ssettm $0x7FFFFFFF  }
0xc9: {  	_ =	shalt  }
tec
execute0_lowered:
.L_overlay_start_1:
0x0: {  	(tag) =	ssettag $0x1  }
0x1: {  	s1 =	srdreg.scid;
	s8 =	rddreg [dreg:$0x0]  }
0x2: {  	s0 =	stileid.u32;
	s2 =	rddreg [dreg:$0x1]  }
0x3: {  	s3 =	simm.s32 $0x0;
	s5 =	sand.u32 $0x1, s1;
	s1 =	rddreg [dreg:$0x2]  }
0x4: {  	s9 =	sshll.u32 s0, $0xA;
	[smem:$0x7FF] =	sst s3;
	s4 =	sshll.u32 s5, $0x9  }
0x5: {  	s7 =	ssub.s32 $0x2, s5;
	_ =	strace $0x80000047;
	s5 =	sadd.s32 $0x201E00, s8  }
0x6: {  	s31 =	sor.u32 $0x1, s9;
	s12 =	sor.u32 $0x2, s9;
	s13 =	sor.u32 $0x3, s9  }
0x7: {  	s14 =	sor.u32 $0x4, s9;
	s15 =	sor.u32 $0x5, s9;
	s16 =	sor.u32 $0x6, s9  }
0x8: {  	s17 =	sor.u32 $0x7, s9;
	s4 =	sor.u32 s4, s9;
	s11 =	sshrl.u32 s7, $0x1  }
0x9: {  	v2 =	vmov s12;
	v3 =	vmov s13;
	s12 =	simm.s32 $0x11000;
	s13 =	simm.s32 $0x12000;
	s6 =	sshll.u32 s4, $0x7  }
0xa: {  	v4 =	vmov s14;
	s14 =	simm.s32 $0x0;
	s11 =	ssub.s32 s7, s11;
	s10 =	sadd.s32 s6, s8  }
0xb: {  	v0 =	vmov s9;
	v1 =	vmov s31;
	s6 =	sadd.s32 $0x241E00, s8;
	s8 =	sadd.s32 $0x2E00, s8;
	s9 =	smax.u32 s11, $0x1  }
0xc: {  	v5 =	vmov s15;
	v6 =	vmov s16;
	v7 =	vmov s17;
	s11 =	simm.s32 $0x3;
	s7 =	sadd.s32 $0x1E00, s10;
	s10 =	simm.s32 $0x10000  }
.LBB2_1:
0xd: {  	[tilespmem:s3], [sflag:$0x1] =	stream.linear.gather [hbm4b:s7+s3], $0x8000, $0x38;
	[tilespmem:$0x13000] =	vst v63  }
0xe: {  	s15 =	simm.s32 $0x0  }
.LBB2_2:
0xf: {  	s16 =	smov.u32 s15  }
0x10: {  	s17 =	sshll.u32 s15, $0x5;
	s15 =	sadd.s32 $0x1, s15;
	p0 =	seq.s32 s16, $0xF  }
0x11: {  	s17 =	sadd.s32 s4, s17;
	s19 =	sand.u32 $0x1, s16;
	s18 =	sand.u32 @!p0 $0x1, s15  }
0x12: {  	s16 =	sshll.u32 @!p0 s17, $0x7;
	s21 =	simm.s32 @!p0 $0x0;
	s29 =	sadd.s32 $0x1, s19  }
0x13: {  	s20 =	sshll.u32 @!p0 s18, $0xF;
	s18 =	sadd.s32 @!p0 $0x1, s18;
	s16 =	sadd.s32 @!p0 s16, s8  }
0x14: {  	[tilespmem:s20], [sflag:s18] =	stream.linear.gather @!p0 [hbm4b:s16+s21], $0x8000, $0x38;
	[tilespmem:$0x13000] =	vst v63  }
0x15: {  	_ =	swait.ge [sflag:s29], $0x8000  }
0x16: {  	s16 =	sshll.u32 s17, $0x4;
	[sflag:s29] =	ssyncset.done $0x0  }
0x17: {  	s17 =	simm.s32 $0x0;
	s30 =	sadd.s32 s2, s16;
	[sflag:s29] =	ssyncadd.s32 $0xFFFF8000  }
0x18: {  	[tilespmem:s10], [sflag:$0x3] =	stream.linear.gather [hbm4b:s30+s17], $0x1000, $0x38;
	[tilespmem:$0x13000] =	vst v63  }
0x19: {  	_ =	swait.ge [sflag:s11], $0x1000  }
0x1a: {  	s31 =	sshll.u32 s19, $0xF;
	s19 =	simm.s32 $0x11080;
	[sflag:s11] =	ssyncset.done $0x0  }
0x1b: {  	v8 =	vmov s31;
	s18 =	simm.s32 $0x10080;
	s20 =	simm.s32 $0x12080;
	[sflag:s11] =	ssyncadd.s32 $0xFFFFF000  }
.LBB2_3:
0x1c: {  	v9 =	vld [tilespmem:s18+$0xFFFFFF80];
	_ =	sdelay $0x1  }
0x1d: {  	v11 =	vmov s17  }
0x1e: {  	v13 =	vshll.u32 v11, $0xA  }
0x1f: {  	v11 =	vshll.u32 v11, $0x7;
	v13 =	vand.u32 $0x6000, v13  }
0x20: {  	v11 =	vand.u32 $0x300, v11;
	v10 =	vshll.u32 v9, $0x3;
	v9 =	vshll.u32 v9, $0x6  }
0x21: {  	v13 =	vor.u32 v8, v13;
	v12 =	vand.u32 $0x78, v10;
	v9 =	vand.u32 $0xFFFFFC00, v9  }
0x22: {  	v9 =	vadd.s32 v13, v9;
	v11 =	vor.u32 v11, v12  }
0x23: {  	v9 =	vor.u32 v9, v11  }
0x24: {  	v11 =	vor.u32 $0x1, v9  }
0x25: {  	v55 =	vor.u32 $0x2, v9  }
0x26: {  	v56 =	vor.u32 $0x3, v9  }
0x27: {  	v14 =	vor.u32 $0x4, v9  }
0x28: {  	v16 =	vor.u32 $0x5, v9;
	v15 =	vld.idx.msk [tilespmem:v9+s3+$0x0], $0xffff  }
0x29: {  	v17 =	vor.u32 $0x6, v9;
	v11 =	vld.idx.msk [tilespmem:v11+s3+$0x0], $0xffff  }
0x2a: {  	v9 =	vor.u32 $0x7, v9;
	v12 =	vld.idx.msk [tilespmem:v55+s3+$0x0], $0xffff  }
0x2b: {  	v13 =	vld.idx.msk [tilespmem:v56+s3+$0x0], $0xffff  }
0x2c: {  	v18 =	vadd.s32 v0, v10;
	v14 =	vld.idx.msk [tilespmem:v14+s3+$0x0], $0xffff  }
0x2d: {  	v57 =	vadd.s32 v1, v10;
	v16 =	vld.idx.msk [tilespmem:v16+s3+$0x0], $0xffff;
	(xrf1) =	vsort.dscd.msk.f32 $0xffff, v15, v18  }
0x2e: {  	v58 =	vld.idx.msk [tilespmem:v17+s3+$0x0], $0xffff;
	(xrf1) =	vsort.ascd.msk.f32 $0xffff, v11, v57;
	v11 =	vadd.s32 v2, v10  }
0x2f: {  	v9 =	vld.idx.msk [tilespmem:v9+s3+$0x0], $0xffff;
	(xrf1) =	vsort.dscd.msk.f32 $0xffff, v12, v11;
	v11 =	vadd.s32 v3, v10  }
0x30: {  	(xrf1) =	vsort.ascd.msk.f32 $0xffff, v13, v11;
	v11 =	vadd.s32 v4, v10  }
0x31: {  	(xrf1) =	vsort.dscd.msk.f32 $0xffff, v14, v11;
	v11 =	vadd.s32 v5, v10  }
0x32: {  	(xrf1) =	vsort.ascd.msk.f32 $0xffff, v16, v11;
	v11 =	vadd.s32 v6, v10  }
0x33: {  	v10 =	vadd.s32 v7, v10;
	(xrf1) =	vsort.dscd.msk.f32 $0xffff, v58, v11  }
0x34: {  	(xrf1) =	vsort.ascd.msk.f32 $0xffff, v9, v10;
	_ =	sdelay $0x6  }
0x35: {  	v9, v10, _ =	vpop (xrf1)  }
0x36: {  	v11, v59, _ =	vpop (xrf1)  }
0x37: {  	v60, v61, _ =	vpop (xrf1)  }
0x38: {  	v63, v62, _ =	vpop (xrf1)  }
0x39: {  	vm0 =	vge.f32 v9, v11;
	v25, v24, _ =	vpop (xrf1)  }
0x3a: {  	v9 =	vsel vm0, v9, v11;
	v10 =	vsel vm0, v10, v59;
	vm15 =	vge.f32 v60, v63;
	v19, v20, _ =	vpop (xrf1)  }
0x3b: {  	(xrf1) =	vsort.dscd.msk.f32 $0xffff, v9, v10;
	v9 =	vsel vm15, v60, v63;
	v10 =	vsel vm15, v61, v62;
	v11, v26, _ =	vpop (xrf1)  }
0x3c: {  	(xrf1) =	vsort.ascd.msk.f32 $0xffff, v9, v10;
	vm4 =	vge.f32 v25, v19;
	v27, v28, _ =	vpop (xrf1)  }
0x3d: {  	v9 =	vsel vm4, v25, v19;
	v10 =	vsel vm4, v24, v20;
	vm5 =	vge.f32 v11, v27  }
0x3e: {  	(xrf1) =	vsort.dscd.msk.f32 $0xffff, v9, v10;
	v9 =	vsel vm5, v11, v27;
	v10 =	vsel vm5, v26, v28  }
0x3f: {  	(xrf1) =	vsort.ascd.msk.f32 $0xffff, v9, v10;
	_ =	sdelay $0xa  }
0x40: {  	v9, v10, _ =	vpop (xrf1)  }
0x41: {  	v11, v29, _ =	vpop (xrf1)  }
0x42: {  	v30, v31, _ =	vpop (xrf1)  }
0x43: {  	vm6 =	vge.f32 v9, v11;
	v32, v33, _ =	vpop (xrf1)  }
0x44: {  	v9 =	vsel vm6, v9, v11;
	v10 =	vsel vm6, v10, v29;
	vm7 =	vge.f32 v30, v32  }
0x45: {  	(xrf1) =	vsort.dscd.msk.f32 $0xffff, v9, v10;
	v9 =	vsel vm7, v30, v32;
	v10 =	vsel vm7, v31, v33  }
0x46: {  	(xrf1) =	vsort.ascd.msk.f32 $0xffff, v9, v10;
	_ =	sdelay $0xc  }
0x47: {  	v9, v10, _ =	vpop (xrf1)  }
0x48: {  	v11, v34, _ =	vpop (xrf1)  }
0x49: {  	vm8 =	vge.f32 v9, v11  }
0x4a: {  	v9 =	vsel vm8, v9, v11;
	v10 =	vsel vm8, v10, v34  }
0x4b: {  	(xrf1) =	vsort.dscd.msk.f32 $0xffff, v9, v10;
	_ =	sdelay $0xd  }
0x4c: {  	v9, v10, _ =	vpop (xrf1)  }
0x4d: {  	[tilespmem:s19+$0xFFFFFF80] =	vst v9  }
0x4e: {  	[tilespmem:s20+$0xFFFFFF80] =	vst v10  }
0x4f: {  	v9 =	vld [tilespmem:s18+$0x0]  }
0x50: {  	s21 =	sadd.s32 $0x1, s17  }
0x51: {  	v11 =	vmov s21  }
0x52: {  	v36 =	vshll.u32 v11, $0xA  }
0x53: {  	v11 =	vshll.u32 v11, $0x7;
	v13 =	vand.u32 $0x6000, v36  }
0x54: {  	v11 =	vand.u32 $0x380, v11;
	v10 =	vshll.u32 v9, $0x3;
	v9 =	vshll.u32 v9, $0x6  }
0x55: {  	v13 =	vor.u32 v8, v13;
	v35 =	vand.u32 $0x78, v10;
	v9 =	vand.u32 $0xFFFFFC00, v9  }
0x56: {  	v9 =	vadd.s32 v13, v9;
	v11 =	vor.u32 v11, v35  }
0x57: {  	v9 =	vor.u32 v9, v11  }
0x58: {  	v11 =	vor.u32 $0x1, v9  }
0x59: {  	v37 =	vor.u32 $0x2, v9  }
0x5a: {  	v38 =	vor.u32 $0x3, v9  }
0x5b: {  	v39 =	vor.u32 $0x4, v9  }
0x5c: {  	v41 =	vor.u32 $0x5, v9;
	v40 =	vld.idx.msk [tilespmem:v9+s3+$0x0], $0xffff  }
0x5d: {  	v42 =	vor.u32 $0x6, v9;
	v11 =	vld.idx.msk [tilespmem:v11+s3+$0x0], $0xffff  }
0x5e: {  	v9 =	vor.u32 $0x7, v9;
	v12 =	vld.idx.msk [tilespmem:v37+s3+$0x0], $0xffff  }
0x5f: {  	v13 =	vld.idx.msk [tilespmem:v38+s3+$0x0], $0xffff  }
0x60: {  	v43 =	vadd.s32 v0, v10;
	v14 =	vld.idx.msk [tilespmem:v39+s3+$0x0], $0xffff  }
0x61: {  	v44 =	vadd.s32 v1, v10;
	v16 =	vld.idx.msk [tilespmem:v41+s3+$0x0], $0xffff;
	(xrf1) =	vsort.dscd.msk.f32 $0xffff, v40, v43  }
0x62: {  	v45 =	vld.idx.msk [tilespmem:v42+s3+$0x0], $0xffff;
	(xrf1) =	vsort.ascd.msk.f32 $0xffff, v11, v44;
	v11 =	vadd.s32 v2, v10  }
0x63: {  	v9 =	vld.idx.msk [tilespmem:v9+s3+$0x0], $0xffff;
	(xrf1) =	vsort.dscd.msk.f32 $0xffff, v12, v11;
	v11 =	vadd.s32 v3, v10  }
0x64: {  	(xrf1) =	vsort.ascd.msk.f32 $0xffff, v13, v11;
	v11 =	vadd.s32 v4, v10  }
0x65: {  	(xrf1) =	vsort.dscd.msk.f32 $0xffff, v14, v11;
	v11 =	vadd.s32 v5, v10  }
0x66: {  	(xrf1) =	vsort.ascd.msk.f32 $0xffff, v16, v11;
	v11 =	vadd.s32 v6, v10  }
0x67: {  	v10 =	vadd.s32 v7, v10;
	(xrf1) =	vsort.dscd.msk.f32 $0xffff, v45, v11  }
0x68: {  	(xrf1) =	vsort.ascd.msk.f32 $0xffff, v9, v10;
	_ =	sdelay $0x6  }
0x69: {  	v9, v10, _ =	vpop (xrf1)  }
0x6a: {  	v11, v46, _ =	vpop (xrf1)  }
0x6b: {  	v47, v48, _ =	vpop (xrf1)  }
0x6c: {  	v50, v49, _ =	vpop (xrf1)  }
0x6d: {  	vm9 =	vge.f32 v9, v11;
	v52, v51, _ =	vpop (xrf1)  }
0x6e: {  	v9 =	vsel vm9, v9, v11;
	v10 =	vsel vm9, v10, v46;
	vm10 =	vge.f32 v47, v50;
	v53, v54, _ =	vpop (xrf1)  }
0x6f: {  	(xrf1) =	vsort.dscd.msk.f32 $0xffff, v9, v10;
	v9 =	vsel vm10, v47, v50;
	v10 =	vsel vm10, v48, v49;
	v11, v55, _ =	vpop (xrf1)  }
0x70: {  	(xrf1) =	vsort.ascd.msk.f32 $0xffff, v9, v10;
	vm11 =	vge.f32 v52, v53;
	v56, v57, _ =	vpop (xrf1)  }
0x71: {  	v9 =	vsel vm11, v52, v53;
	v10 =	vsel vm11, v51, v54;
	vm12 =	vge.f32 v11, v56  }
0x72: {  	(xrf1) =	vsort.dscd.msk.f32 $0xffff, v9, v10;
	v9 =	vsel vm12, v11, v56;
	v10 =	vsel vm12, v55, v57  }
0x73: {  	(xrf1) =	vsort.ascd.msk.f32 $0xffff, v9, v10;
	_ =	sdelay $0xa  }
0x74: {  	v9, v10, _ =	vpop (xrf1)  }
0x75: {  	v11, v58, _ =	vpop (xrf1)  }
0x76: {  	v59, v60, _ =	vpop (xrf1)  }
0x77: {  	vm13 =	vge.f32 v9, v11;
	v61, v62, _ =	vpop (xrf1)  }
0x78: {  	v9 =	vsel vm13, v9, v11;
	v10 =	vsel vm13, v10, v58;
	vm14 =	vge.f32 v59, v61  }
0x79: {  	(xrf1) =	vsort.dscd.msk.f32 $0xffff, v9, v10;
	v9 =	vsel vm14, v59, v61;
	v10 =	vsel vm14, v60, v62  }
0x7a: {  	(xrf1) =	vsort.ascd.msk.f32 $0xffff, v9, v10;
	_ =	sdelay $0xc  }
0x7b: {  	v9, v10, _ =	vpop (xrf1)  }
0x7c: {  	v11, v63, _ =	vpop (xrf1)  }
0x7d: {  	vm15 =	vge.f32 v9, v11  }
0x7e: {  	v9 =	vsel vm15, v9, v11;
	v10 =	vsel vm15, v10, v63  }
0x7f: {  	(xrf1) =	vsort.dscd.msk.f32 $0xffff, v9, v10;
	_ =	sdelay $0xa  }
0x80: {  	p0 =	slt.u32 s17, $0x1E  }
.Ltmp0:
0x81: {  	_ = 	snop;
	(pc) =	sbr.rel @p0 .LBB2_3-.Ltmp0, $4  }
0x82: {  	_ = 	snop  }
0x83: {  	v9, v10, _ =	vpop (xrf1)  }
0x84: {  	s17 =	sadd.s32 $0x2, s17;
	[tilespmem:s19+$0x0] =	vst v9  }
0x85: {  	s18 =	sadd.s32 $0x100, s18;
	s19 =	sadd.s32 $0x100, s19;
	[tilespmem:s20+$0x0] =	vst v10;
	s20 =	sadd.s32 $0x100, s20  }
0x86: {  	s17 =	sadd.s32 s5, s16  }
0x87: {  	[hbm4b:s17+s3] =	stream.linear.scatter [tilespmem:s12], [sflag:$0x3], $0x1000, $0x38;
	[tilespmem:$0x13000] =	vst v63  }
0x88: {  	_ =	swait.ge [sflag:s11], $0x1000  }
0x89: {  	p0 =	sne.s32 s15, $0x10;
	[sflag:s11] =	ssyncset.done $0x0  }
.Ltmp1:
0x8a: {  	s31 =	sadd.s32 s6, s16;
	[sflag:s11] =	ssyncadd.s32 $0xFFFFF000;
	(pc) =	sbr.rel @p0 .LBB2_2-.Ltmp1, $4  }
0x8b: {  	[hbm4b:s31+s3] =	stream.linear.scatter [tilespmem:s13], [sflag:$0x3], $0x1000, $0x38;
	[tilespmem:$0x13000] =	vst v63  }
0x8c: {  	_ =	swait.ge [sflag:s11], $0x1000  }
0x8d: {  	[sflag:s11] =	ssyncset.done $0x0  }
0x8e: {  	[sflag:s11] =	ssyncadd.s32 $0xFFFFF000  }
0x8f: {  	s14 =	sadd.s32 $0x1, s14  }
0x90: {  	p0 =	sne.s32 s14, s9  }
.Ltmp2:
0x91: {  	_ = 	snop;
	(pc) =	sbr.rel @p0 .LBB2_1-.Ltmp2, $1  }
0x92: {  	_ =	sdelay $0x3  }
0x93: {  	_ =	sfence.sel $0x180000  }
0x94: {  	[bflag:$0x0] =	sbarrier.arrive $0xFFFF  }
0x95: {  	p0 =	sne.s32 s0, $0x0;
	_ =	strace $0x90000047  }
0x96: {  	s0 =	sadd.s32 @!p0 $0x100000, s1;
	[bflag:$0x2] =	sbarrier.arrive $0xFFFF  }
0x97: {  	[sflag:s0] =	ssyncadd.tile.s32 @!p0 $0x1;
	_ =	shalt  }
.Lfunc_end2:
_tile_overlayer_lowered:
.L_overlay_start_2:
0x98: {  	(tag) =	ssettag $0x2  }
0x99: {  	s0 =	rddreg [dreg:$0x0];
	s2 =	stileid.u32  }
0x9a: {  	s1 =	rddreg [dreg:$0x1];
	p0 =	sne.s32 s2, $0x0  }
0x9b: {  	s3 =	rddreg [dreg:$0x2];
	[bflag:$0x3] =	sbarrier.arrive $0xFFFF;
	s2 =	simm.s32 @!p0 $0x1C03  }
0x9c: {  	[timem:s3], [sflag:s2] =	dma.local @!p0 [hbm:s0], s1  }
0x9d: {  	s0 =	simm.s32 @!p0 $0x3  }
0x9e: {  	_ =	swait.ge @!p0 [sflag:s0], s1  }
0x9f: {  	s1 =	ssub.s32 @!p0 $0x0, s1;
	[sflag:s0] =	ssyncset.done @!p0 $0x0  }
0xa0: {  	[sflag:s0] =	ssyncadd.s32 @!p0 s1  }
0xa1: {  	[bflag:$0x3] =	sbarrier.arrive $0xFFFF  }
0xa2: {  	_ =	shalt  }

</sc_bundles>
